<compile_context>
chip_gen: v7x
topology: tpu7x:2x2x1
jax: 0.10.2.dev20260603
libtpu: 0.0.44.dev20260713+nightly
codegen_flags: <defaults>
</compile_context>

<pallas_src>
import functools

import jax
import jax.numpy as jnp
import numpy as np
from jax.experimental import pallas as pl
from jax.experimental.pallas import tpu as pltpu

V = 36
D_OB = 4
T = 215
B = 128
VD = V * D_OB
D = T * D_OB
DIM_POS = 16
E_ENC = VD + DIM_POS
NHEAD = 8
DH = E_ENC // NHEAD
NHID = 512

_TS = np.power(float(T), np.linspace(0.0, 1.0, DIM_POS // 2)).astype(np.float32)



def _dil_body(x_ref, w_ref, o_ref):
    o_ref[...] = jnp.maximum(
        jnp.dot(x_ref[...], w_ref[...], preferred_element_type=jnp.float32), 0.0)


def _mm_body(x_ref, w_ref, o_ref):
    o_ref[...] = jnp.dot(x_ref[...], w_ref[...], preferred_element_type=jnp.float32)


def _matmul(x, w, body, bm):
    m, k = x.shape
    _, n = w.shape
    grid = m // bm
    return pl.pallas_call(
        body,
        grid=(grid,),
        in_specs=[
            pl.BlockSpec((bm, k), lambda i: (i, 0)),
            pl.BlockSpec((k, n), lambda i: (0, 0)),
        ],
        out_specs=pl.BlockSpec((bm, n), lambda i: (i, 0)),
        out_shape=jax.ShapeDtypeStruct((m, n), jnp.float32),
    )(x, w)



def _gat1_body(qkv_ref, o_ref, a_ref):
    q = qkv_ref[0, 0]
    k = qkv_ref[0, 1]
    v = qkv_ref[0, 2]
    l = jax.lax.dot_general(k, q, (((1,), (1,)), ((), ())),
                            preferred_element_type=jnp.float32)
    l = l / jnp.sqrt(jnp.float32(D))
    m = jnp.max(l, axis=0, keepdims=True)
    e = jnp.exp(l - m)
    s = jnp.sum(e, axis=0, keepdims=True)
    a = e / (s + 1e-16)
    o_ref[0] = jax.lax.dot_general(a, v, (((0,), (0,)), ((), ())),
                                   preferred_element_type=jnp.float32)
    a_ref[0] = a


def _gat2_body(qkv_ref, ew_ref, o_ref, a_ref):
    q = qkv_ref[0, 0]
    k = qkv_ref[0, 1]
    v = qkv_ref[0, 2]
    l = jax.lax.dot_general(k, q, (((1,), (1,)), ((), ())),
                            preferred_element_type=jnp.float32)
    l = l / jnp.sqrt(jnp.float32(D)) * ew_ref[0]
    m = jnp.max(l, axis=0, keepdims=True)
    e = jnp.exp(l - m)
    s = jnp.sum(e, axis=0, keepdims=True)
    a = e / (s + 1e-16)
    o_ref[0] = jax.lax.dot_general(a, v, (((0,), (0,)), ((), ())),
                                   preferred_element_type=jnp.float32)
    a_ref[0] = a


def _gat_attn(qkv, ew):
    out_shape = (jax.ShapeDtypeStruct((B, V, D), jnp.float32),
                 jax.ShapeDtypeStruct((B, V, V), jnp.float32))
    qkv_spec = pl.BlockSpec((1, 3, V, D), lambda b: (b, 0, 0, 0))
    o_spec = pl.BlockSpec((1, V, D), lambda b: (b, 0, 0))
    a_spec = pl.BlockSpec((1, V, V), lambda b: (b, 0, 0))
    if ew is None:
        return pl.pallas_call(
            _gat1_body, grid=(B,),
            in_specs=[qkv_spec],
            out_specs=(o_spec, a_spec),
            out_shape=out_shape,
        )(qkv)
    return pl.pallas_call(
        _gat2_body, grid=(B,),
        in_specs=[qkv_spec, a_spec],
        out_specs=(o_spec, a_spec),
        out_shape=out_shape,
    )(qkv, ew)



def _pe_body(t_ref, ts_ref, o_ref):
    x = t_ref[...]
    ts = ts_ref[...]
    scaled = x[:, None, :] / ts[None, :, :]
    o_ref[...] = jnp.concatenate([jnp.sin(scaled), jnp.cos(scaled)], axis=1)


def _pos_encode(times_b):
    return pl.pallas_call(
        _pe_body, grid=(B // 8,),
        in_specs=[pl.BlockSpec((8, T), lambda i: (i, 0)),
                  pl.BlockSpec((DIM_POS // 2, 1), lambda i: (0, 0))],
        out_specs=pl.BlockSpec((8, DIM_POS, T), lambda i: (i, 0, 0)),
        out_shape=jax.ShapeDtypeStruct((B, DIM_POS, T), jnp.float32),
    )(times_b, jnp.asarray(_TS).reshape(DIM_POS // 2, 1))



def _dist_body(a_ref, o_ref):
    a = a_ref[...]

    def body(i, acc):
        row = a_ref[pl.ds(i, 1), :]
        d = a - row
        s = jnp.sum(d * d, axis=1, keepdims=True) + 1e-12
        return acc + jnp.sum(jnp.sqrt(s))

    acc = jax.lax.fori_loop(0, B, body, jnp.float32(0.0))
    o_ref[0, 0] = acc / jnp.float32(B * B)


def _distance(a2):
    out = pl.pallas_call(
        _dist_body,
        in_specs=[pl.BlockSpec((B, V * V), lambda: (0, 0))],
        out_specs=pl.BlockSpec(memory_space=pltpu.SMEM),
        out_shape=jax.ShapeDtypeStruct((1, 1), jnp.float32),
    )(a2)
    return out[0, 0]



def _ln(x):
    m = jnp.mean(x, axis=-1, keepdims=True)
    v = jnp.mean((x - m) * (x - m), axis=-1, keepdims=True)
    return (x - m) / jnp.sqrt(v + 1e-5)


def _enc_body(x_ref, pad_ref, wq_ref, wk_ref, wv_ref, wo_ref, w1_ref, w2_ref,
              o_ref):
    x = x_ref[0]
    pad = pad_ref[0] > 0.5
    attn = jnp.zeros((T, E_ENC), jnp.float32)
    for h in range(NHEAD):
        qh = jnp.dot(x, wq_ref[h], preferred_element_type=jnp.float32)
        kh = jnp.dot(x, wk_ref[h], preferred_element_type=jnp.float32)
        vh = jnp.dot(x, wv_ref[h], preferred_element_type=jnp.float32)
        lg = jax.lax.dot_general(qh, kh, (((1,), (1,)), ((), ())),
                                 preferred_element_type=jnp.float32)
        lg = lg / jnp.sqrt(jnp.float32(DH))
        lg = jnp.where(pad, jnp.float32(-1e9), lg)
        mx = jnp.max(lg, axis=1, keepdims=True)
        ex = jnp.exp(lg - mx)
        al = ex / jnp.sum(ex, axis=1, keepdims=True)
        oh = jnp.dot(al, vh, preferred_element_type=jnp.float32)
        attn = attn + jnp.dot(oh, wo_ref[h], preferred_element_type=jnp.float32)
    x1 = _ln(x + attn)
    ff = jnp.dot(
        jnp.maximum(jnp.dot(x1, w1_ref[...], preferred_element_type=jnp.float32),
                    0.0),
        w2_ref[...], preferred_element_type=jnp.float32)
    o_ref[0] = _ln(x1 + ff)


def _enc_layer(x, padf, p):
    wq = p["Wq"].reshape(E_ENC, NHEAD, DH).transpose(1, 0, 2)
    wk = p["Wk"].reshape(E_ENC, NHEAD, DH).transpose(1, 0, 2)
    wv = p["Wv"].reshape(E_ENC, NHEAD, DH).transpose(1, 0, 2)
    wo = p["Wo"].reshape(NHEAD, DH, E_ENC)
    full = lambda shape: pl.BlockSpec(shape, lambda b: (0,) * len(shape))
    return pl.pallas_call(
        _enc_body, grid=(B,),
        in_specs=[
            pl.BlockSpec((1, T, E_ENC), lambda b: (b, 0, 0)),
            pl.BlockSpec((1, 1, T), lambda b: (b, 0, 0)),
            full((NHEAD, E_ENC, DH)),
            full((NHEAD, E_ENC, DH)),
            full((NHEAD, E_ENC, DH)),
            full((NHEAD, DH, E_ENC)),
            full((E_ENC, NHID)),
            full((NHID, E_ENC)),
        ],
        out_specs=pl.BlockSpec((1, T, E_ENC), lambda b: (b, 0, 0)),
        out_shape=jax.ShapeDtypeStruct((B, T, E_ENC), jnp.float32),
    )(x, padf, wq, wk, wv, wo, p["W1"], p["W2"])



def kernel(data_in, times_in, mask_in, lengths, params):
    wc = params["W_dil"].reshape(V, D_OB, VD).sum(axis=1)
    h = _matmul(data_in.reshape(T * B, V), wc, _dil_body, bm=T * B // 8)
    x = h.reshape(T, B, V, D_OB).transpose(1, 2, 0, 3).reshape(B * V, D)

    wqkv1 = jnp.concatenate([params["Wq1"], params["Wk1"], params["Wv1"]], axis=1)
    wqkv2 = jnp.concatenate([params["Wq2"], params["Wk2"], params["Wv2"]], axis=1)

    qkv1 = _matmul(x, wqkv1, _mm_body, bm=512)
    qkv1 = qkv1.reshape(B, V, 3, D).transpose(0, 2, 1, 3)
    out1, _a1 = _gat_attn(qkv1, None)

    qkv2 = _matmul(out1.reshape(B * V, D), wqkv2, _mm_body, bm=512)
    qkv2 = qkv2.reshape(B, V, 3, D).transpose(0, 2, 1, 3)
    out2, a2 = _gat_attn(qkv2, _a1)

    distance = _distance(a2.reshape(B, V * V))

    out_b = out2.reshape(B, V, T, D_OB).transpose(0, 2, 1, 3).reshape(B, T, VD)
    pe = _pos_encode(times_in.T).transpose(0, 2, 1)
    xenc = jnp.concatenate([out_b, pe], axis=2)
    padf = (jnp.arange(T)[None, :] >= lengths[:, None]).astype(
        jnp.float32).reshape(B, 1, T)

    for p in params["layers"]:
        xenc = _enc_layer(xenc, padf, p)

    return xenc.transpose(1, 0, 2), distance

# --- scband reference (transcript-rebuilt; emitter-appended) ---
"""Pipeline reference for scband-raindrop-12206297055894 (READ-ONLY COPY).

The authoritative reference and input builder live on the scoring server;
editing this copy changes nothing except your own understanding.
"""

import jax, jax.numpy as jnp
import numpy as np

V = 36
D_OB = 4
T = 215
B = 128
VD = V * D_OB
D = T * D_OB
DIM_POS = 16
E_ENC = VD + DIM_POS
NHEAD = 8
DH = E_ENC // NHEAD
NHID = 512
NLAYERS = 2

SRC = jnp.repeat(jnp.arange(V), V)
DST = jnp.tile(jnp.arange(V), V)


def pos_encode(times):
    ts = np.power(float(T), np.linspace(0.0, 1.0, DIM_POS // 2)).astype(np.float32)
    scaled = times[..., None] / jnp.asarray(ts)[None, None, :]
    return jnp.concatenate([jnp.sin(scaled), jnp.cos(scaled)], axis=-1)


def layer_norm(x, g, b):
    m = jnp.mean(x, axis=-1, keepdims=True)
    v = jnp.var(x, axis=-1, keepdims=True)
    return (x - m) / jnp.sqrt(v + 1e-5) * g + b


def mha(x, p, pad):
    q = x @ p["Wq"] + p["bq"]
    k = x @ p["Wk"] + p["bk"]
    v = x @ p["Wv"] + p["bv"]
    def split(t):
        return t.transpose(1, 0, 2).reshape(B, T, NHEAD, DH).transpose(0, 2, 1, 3)
    qh, kh, vh = split(q), split(k), split(v)
    logits = (qh @ kh.transpose(0, 1, 3, 2)) / jnp.sqrt(jnp.float32(DH))
    logits = jnp.where(pad[:, None, None, :], jnp.float32(-1e9), logits)
    a = jax.nn.softmax(logits, axis=-1)
    o = a @ vh
    o = o.transpose(0, 2, 1, 3).reshape(B, T, E_ENC).transpose(1, 0, 2)
    return o @ p["Wo"] + p["bo"]


def gat(x, Wq, Wk, Wv, ew):
    # Observation_progation: graph attention message passing over the sensor graph
    q = x @ Wq
    k = x @ Wk
    v = x @ Wv
    logits = jnp.sum(q[DST] * k[SRC], axis=-1) / jnp.sqrt(jnp.float32(D)) * ew
    m = jax.ops.segment_max(logits, DST, num_segments=V)
    e = jnp.exp(logits - m[DST])
    s = jax.ops.segment_sum(e, DST, num_segments=V)
    alpha = e / (s[DST] + 1e-16)
    out = jax.ops.segment_sum(alpha[:, None] * v[SRC], DST, num_segments=V)
    return out, alpha


def setup_inputs(seed: int = 0) -> dict:
    key = jax.random.key(seed)
    ks = jax.random.split(key, 48)
    data_in = jax.random.normal(ks[0], (T, B, V), dtype=jnp.float32)
    times_in = jax.random.uniform(ks[1], (T, B), dtype=jnp.float32) * T
    mask_in = jax.random.uniform(ks[2], (T, B, V), dtype=jnp.float32)
    lengths = jax.random.randint(ks[3], (B,), 1, T)
    def lin(k, fi, fo):
        return (jax.random.normal(k, (fi, fo), dtype=jnp.float32) / np.sqrt(fi)).astype(jnp.float32)
    params = {
        "W_dil": lin(ks[4], VD, VD), "b_dil": jnp.zeros((VD,), jnp.float32),
        "Wq1": lin(ks[5], D, D), "Wk1": lin(ks[6], D, D), "Wv1": lin(ks[7], D, D),
        "Wq2": lin(ks[8], D, D), "Wk2": lin(ks[9], D, D), "Wv2": lin(ks[10], D, D),
    }
    layers = []
    for i in range(NLAYERS):
        o = 11 + i * 6
        layers.append({
            "Wq": lin(ks[o], E_ENC, E_ENC), "bq": jnp.zeros((E_ENC,), jnp.float32),
            "Wk": lin(ks[o + 1], E_ENC, E_ENC), "bk": jnp.zeros((E_ENC,), jnp.float32),
            "Wv": lin(ks[o + 2], E_ENC, E_ENC), "bv": jnp.zeros((E_ENC,), jnp.float32),
            "Wo": lin(ks[o + 3], E_ENC, E_ENC), "bo": jnp.zeros((E_ENC,), jnp.float32),
            "W1": lin(ks[o + 4], E_ENC, NHID), "b1": jnp.zeros((NHID,), jnp.float32),
            "W2": lin(ks[o + 5], NHID, E_ENC), "b2": jnp.zeros((E_ENC,), jnp.float32),
            "g1": jnp.ones((E_ENC,), jnp.float32), "be1": jnp.zeros((E_ENC,), jnp.float32),
            "g2": jnp.ones((E_ENC,), jnp.float32), "be2": jnp.zeros((E_ENC,), jnp.float32),
        })
    params["layers"] = layers
    return {"data_in": data_in, "times_in": times_in, "mask_in": mask_in,
            "lengths": lengths, "params": params}


def _forward(data_in, params, times_in, lengths):
    data = jnp.repeat(data_in, D_OB, axis=-1)                      # [T,B,VD]
    h = jax.nn.relu(data @ params["W_dil"] + params["b_dil"])      # MLP_1L_ReLU
    pe = pos_encode(times_in)                                       # [T,B,DIM_POS]
    pad = jnp.arange(T)[None, :] >= lengths[:, None]                # [B,T]
    ew0 = jnp.ones((V * V,), jnp.float32)
    def per_unit(x_u):                                              # x_u: [T,VD]
        step = x_u.reshape(T, V, D_OB).transpose(1, 0, 2).reshape(V, D)
        step, a1 = gat(step, params["Wq1"], params["Wk1"], params["Wv1"], ew0)
        step, a2 = gat(step, params["Wq2"], params["Wk2"], params["Wv2"], a1)
        step = step.reshape(V, T, D_OB).transpose(1, 0, 2).reshape(T, VD)
        return step, a2
    out_b, a2_b = jax.vmap(per_unit, in_axes=1, out_axes=0)(h)      # [B,T,VD], [B,E]
    output = out_b.transpose(1, 0, 2)                               # [T,B,VD]
    diff = a2_b[:, None, :] - a2_b[None, :, :]
    distance = jnp.mean(jnp.sqrt(jnp.sum(diff * diff, axis=-1) + 1e-12))
    x = jnp.concatenate([output, pe], axis=2)                       # [T,B,E_ENC]
    for p in params["layers"]:
        x = layer_norm(x + mha(x, p, pad), p["g1"], p["be1"])
        ff = jax.nn.relu(x @ p["W1"] + p["b1"]) @ p["W2"] + p["b2"]
        x = layer_norm(x + ff, p["g2"], p["be2"])
    return x, distance


def reference(data_in, times_in, mask_in, lengths, params):
    return _forward(data_in, params, times_in, lengths)

if __name__ == "__main__":
    import jax
    _d = setup_inputs()
    print(jax.jit(kernel)(*tuple(_d.values())))

</pallas_src>

<mosaic_0001>
module attributes {stable_mosaic.version = 14 : i64} {
  func.func @_dil_body(%arg0: i32, %arg1: memref<3440x36xf32, #tpu.memory_space<vmem>>, %arg2: memref<36x144xf32, #tpu.memory_space<vmem>>, %arg3: memref<3440x144xf32, #tpu.memory_space<vmem>>) attributes {dimension_semantics = [#tpu.dimension_semantics<arbitrary>], iteration_bounds = array<i64: 8>, scalar_prefetch = 0 : i64, scratch_operands = 0 : i64, tpu.core_type = #tpu.core_type<tc>, window_params = [{transform_indices = @transform_0, window_bounds = array<i64: 3440, 36>}, {pipeline_mode = #tpu.pipeline_mode<synchronous>, transform_indices = @transform_1, window_bounds = array<i64: 36, 144>}, {transform_indices = @transform_2, window_bounds = array<i64: 3440, 144>}]} {
    %get3A = arith.constant 0 : index
    %get3A_0 = arith.constant 0 : index
    %get3A_1 = vector.load %arg1[%get3A, %get3A_0] : memref<3440x36xf32, #tpu.memory_space<vmem>>, vector<3440x36xf32>
    %get3A_2 = arith.constant 0 : index
    %get3A_3 = arith.constant 0 : index
    %get3A_4 = vector.load %arg2[%get3A_2, %get3A_3] : memref<36x144xf32, #tpu.memory_space<vmem>>, vector<36x144xf32>
    %dot_general3A = arith.constant dense<0.000000e+00> : vector<3440x144xf32>
    %dot_general3A_5 = tpu.matmul %get3A_1, %get3A_4, %dot_general3A {dimension_numbers = #tpu.dot_dimension_numbers<[1], [0], [0], [1], [0, 0, 1, 1], [], []>, transpose_lhs_hint = false} : vector<3440x36xf32>, vector<36x144xf32>, vector<3440x144xf32> -> vector<3440x144xf32>
    %max3A = arith.constant 0.000000e+00 : f32
    %max3A_6 = vector.broadcast %max3A : f32 to vector<3440x144xf32>
    %max3A_7 = arith.maximumf %dot_general3A_5, %max3A_6 : vector<3440x144xf32>
    %swap3A = arith.constant 0 : index
    %swap3A_8 = arith.constant 0 : index
    %swap3A_9 = vector.load %arg3[%swap3A, %swap3A_8] : memref<3440x144xf32, #tpu.memory_space<vmem>>, vector<3440x144xf32>
    tpu.vector_store %arg3[%swap3A, %swap3A_8], %max3A_7 {strides = array<i32>} : memref<3440x144xf32, #tpu.memory_space<vmem>>, vector<3440x144xf32>,
    return
  }
  func.func @transform_0(%arg0: i32) -> (i32, i32) {
    %c0_i32 = arith.constant 0 : i32
    %c0_i32_0 = arith.constant 0 : i32
    return %arg0, %c0_i32 : i32, i32
  }
  func.func @transform_1(%arg0: i32) -> (i32, i32) {
    %c0_i32 = arith.constant 0 : i32
    %c0_i32_0 = arith.constant 0 : i32
    %c0_i32_1 = arith.constant 0 : i32
    return %c0_i32, %c0_i32_0 : i32, i32
  }
  func.func @transform_2(%arg0: i32) -> (i32, i32) {
    %c0_i32 = arith.constant 0 : i32
    %c0_i32_0 = arith.constant 0 : i32
    return %arg0, %c0_i32 : i32, i32
  }
}

module attributes {stable_mosaic.version = 14 : i64} {
  func.func @_mm_body(%arg0: i32, %arg1: memref<512x860xf32, #tpu.memory_space<vmem>>, %arg2: memref<860x2580xf32, #tpu.memory_space<vmem>>, %arg3: memref<512x2580xf32, #tpu.memory_space<vmem>>) attributes {dimension_semantics = [#tpu.dimension_semantics<arbitrary>], iteration_bounds = array<i64: 9>, scalar_prefetch = 0 : i64, scratch_operands = 0 : i64, tpu.core_type = #tpu.core_type<tc>, window_params = [{transform_indices = @transform_0, window_bounds = array<i64: 512, 860>}, {pipeline_mode = #tpu.pipeline_mode<synchronous>, transform_indices = @transform_1, window_bounds = array<i64: 860, 2580>}, {transform_indices = @transform_2, window_bounds = array<i64: 512, 2580>}]} {
    %get3A = arith.constant 0 : index
    %get3A_0 = arith.constant 0 : index
    %get3A_1 = vector.load %arg1[%get3A, %get3A_0] : memref<512x860xf32, #tpu.memory_space<vmem>>, vector<512x860xf32>
    %get3A_2 = arith.constant 0 : index
    %get3A_3 = arith.constant 0 : index
    %get3A_4 = vector.load %arg2[%get3A_2, %get3A_3] : memref<860x2580xf32, #tpu.memory_space<vmem>>, vector<860x2580xf32>
    %dot_general3A = arith.constant dense<0.000000e+00> : vector<512x2580xf32>
    %dot_general3A_5 = tpu.matmul %get3A_1, %get3A_4, %dot_general3A {dimension_numbers = #tpu.dot_dimension_numbers<[1], [0], [0], [1], [0, 0, 1, 1], [], []>, transpose_lhs_hint = false} : vector<512x860xf32>, vector<860x2580xf32>, vector<512x2580xf32> -> vector<512x2580xf32>
    %swap3A = arith.constant 0 : index
    %swap3A_6 = arith.constant 0 : index
    %swap3A_7 = vector.load %arg3[%swap3A, %swap3A_6] : memref<512x2580xf32, #tpu.memory_space<vmem>>, vector<512x2580xf32>
    tpu.vector_store %arg3[%swap3A, %swap3A_6], %dot_general3A_5 {strides = array<i32>} : memref<512x2580xf32, #tpu.memory_space<vmem>>, vector<512x2580xf32>,
    return
  }
  func.func @transform_0(%arg0: i32) -> (i32, i32) {
    %c0_i32 = arith.constant 0 : i32
    %c0_i32_0 = arith.constant 0 : i32
    return %arg0, %c0_i32 : i32, i32
  }
  func.func @transform_1(%arg0: i32) -> (i32, i32) {
    %c0_i32 = arith.constant 0 : i32
    %c0_i32_0 = arith.constant 0 : i32
    %c0_i32_1 = arith.constant 0 : i32
    return %c0_i32, %c0_i32_0 : i32, i32
  }
  func.func @transform_2(%arg0: i32) -> (i32, i32) {
    %c0_i32 = arith.constant 0 : i32
    %c0_i32_0 = arith.constant 0 : i32
    return %arg0, %c0_i32 : i32, i32
  }
}

module attributes {stable_mosaic.version = 14 : i64} {
  func.func @_gat1_body(%arg0: i32, %arg1: memref<1x3x36x860xf32, #tpu.memory_space<vmem>>, %arg2: memref<1x36x860xf32, #tpu.memory_space<vmem>>, %arg3: memref<1x36x36xf32, #tpu.memory_space<vmem>>) attributes {dimension_semantics = [#tpu.dimension_semantics<arbitrary>], iteration_bounds = array<i64: 128>, scalar_prefetch = 0 : i64, scratch_operands = 0 : i64, tpu.core_type = #tpu.core_type<tc>, window_params = [{transform_indices = @transform_0, window_bounds = array<i64: 1, 3, 36, 860>}, {transform_indices = @transform_1, window_bounds = array<i64: 1, 36, 860>}, {transform_indices = @transform_2, window_bounds = array<i64: 1, 36, 36>}]} {
    %get3A = arith.constant 0 : index
    %get3A_0 = arith.constant 0 : index
    %get3A_1 = arith.constant 0 : index
    %get3A_2 = arith.constant 0 : index
    %get3A_3 = vector.load %arg1[%get3A, %get3A_0, %get3A_1, %get3A_2] : memref<1x3x36x860xf32, #tpu.memory_space<vmem>>, vector<1x1x36x860xf32>
    %get3A_4 = vector.shape_cast %get3A_3 : vector<1x1x36x860xf32> to vector<36x860xf32>
    %get3A_5 = arith.constant 0 : index
    %get3A_6 = arith.constant 1 : index
    %get3A_7 = arith.constant 0 : index
    %get3A_8 = arith.constant 0 : index
    %get3A_9 = vector.load %arg1[%get3A_5, %get3A_6, %get3A_7, %get3A_8] : memref<1x3x36x860xf32, #tpu.memory_space<vmem>>, vector<1x1x36x860xf32>
    %get3A_10 = vector.shape_cast %get3A_9 : vector<1x1x36x860xf32> to vector<36x860xf32>
    %get3A_11 = arith.constant 0 : index
    %get3A_12 = arith.constant 2 : index
    %get3A_13 = arith.constant 0 : index
    %get3A_14 = arith.constant 0 : index
    %get3A_15 = vector.load %arg1[%get3A_11, %get3A_12, %get3A_13, %get3A_14] : memref<1x3x36x860xf32, #tpu.memory_space<vmem>>, vector<1x1x36x860xf32>
    %get3A_16 = vector.shape_cast %get3A_15 : vector<1x1x36x860xf32> to vector<36x860xf32>
    %dot_general3A = arith.constant dense<0.000000e+00> : vector<36x36xf32>
    %dot_general3A_17 = tpu.matmul %get3A_10, %get3A_4, %dot_general3A {dimension_numbers = #tpu.dot_dimension_numbers<[1], [1], [0], [0], [0, 0, 1, 0], [], []>, transpose_lhs_hint = false} : vector<36x860xf32>, vector<36x860xf32>, vector<36x36xf32> -> vector<36x36xf32>
    %sqrt3A = arith.constant 8.600000e+02 : f32
    %sqrt3A_18 = math.sqrt %sqrt3A : f32
    %div3A = vector.broadcast %sqrt3A_18 : f32 to vector<36x36xf32>
    %div3A_19 = arith.divf %dot_general3A_17, %div3A : vector<36x36xf32>
    %reduce_max3A = arith.constant dense<0xFF800000> : vector<36xf32>
    %reduce_max3A_20 = vector.multi_reduction <maximumf>, %div3A_19, %reduce_max3A [0] : vector<36x36xf32> to vector<36xf32>
    %broadcast_in_dim3A = vector.shape_cast %reduce_max3A_20 : vector<36xf32> to vector<1x36xf32>
    %sub3A = vector.broadcast %broadcast_in_dim3A : vector<1x36xf32> to vector<36x36xf32>
    %sub3A_21 = arith.subf %div3A_19, %sub3A : vector<36x36xf32>
    %exp3A = math.exp %sub3A_21 : vector<36x36xf32>
    %reduce_sum3A = arith.constant dense<0.000000e+00> : vector<36xf32>
    %reduce_sum3A_22 = vector.multi_reduction <add>, %exp3A, %reduce_sum3A [0] : vector<36x36xf32> to vector<36xf32>
    %broadcast_in_dim3A_23 = vector.shape_cast %reduce_sum3A_22 : vector<36xf32> to vector<1x36xf32>
    %add3A = arith.constant 1.000000e-16 : f32
    %add3A_24 = vector.broadcast %add3A : f32 to vector<1x36xf32>
    %add3A_25 = arith.addf %broadcast_in_dim3A_23, %add3A_24 : vector<1x36xf32>
    %div3A_26 = vector.broadcast %add3A_25 : vector<1x36xf32> to vector<36x36xf32>
    %div3A_27 = arith.divf %exp3A, %div3A_26 : vector<36x36xf32>
    %dot_general3A_28 = arith.constant dense<0.000000e+00> : vector<36x860xf32>
    %dot_general3A_29 = tpu.matmul %div3A_27, %get3A_16, %dot_general3A_28 {dimension_numbers = #tpu.dot_dimension_numbers<[0], [0], [1], [1], [0, 1, 1, 1], [], []>, transpose_lhs_hint = false} : vector<36x36xf32>, vector<36x860xf32>, vector<36x860xf32> -> vector<36x860xf32>
    %swap3A = arith.constant 0 : index
    %swap3A_30 = arith.constant 0 : index
    %swap3A_31 = arith.constant 0 : index
    %swap3A_32 = vector.load %arg2[%swap3A, %swap3A_30, %swap3A_31] : memref<1x36x860xf32, #tpu.memory_space<vmem>>, vector<1x36x860xf32>
    %swap3A_33 = vector.shape_cast %swap3A_32 : vector<1x36x860xf32> to vector<36x860xf32>
    %swap3A_34 = vector.shape_cast %dot_general3A_29 : vector<36x860xf32> to vector<1x36x860xf32>
    tpu.vector_store %arg2[%swap3A, %swap3A_30, %swap3A_31], %swap3A_34 {strides = array<i32>} : memref<1x36x860xf32, #tpu.memory_space<vmem>>, vector<1x36x860xf32>,
    %swap3A_35 = arith.constant 0 : index
    %swap3A_36 = arith.constant 0 : index
    %swap3A_37 = arith.constant 0 : index
    %swap3A_38 = vector.load %arg3[%swap3A_35, %swap3A_36, %swap3A_37] : memref<1x36x36xf32, #tpu.memory_space<vmem>>, vector<1x36x36xf32>
    %swap3A_39 = vector.shape_cast %swap3A_38 : vector<1x36x36xf32> to vector<36x36xf32>
    %swap3A_40 = vector.shape_cast %div3A_27 : vector<36x36xf32> to vector<1x36x36xf32>
    tpu.vector_store %arg3[%swap3A_35, %swap3A_36, %swap3A_37], %swap3A_40 {strides = array<i32>} : memref<1x36x36xf32, #tpu.memory_space<vmem>>, vector<1x36x36xf32>,
    return
  }
  func.func @transform_0(%arg0: i32) -> (i32, i32, i32, i32) {
    %c0_i32 = arith.constant 0 : i32
    %c0_i32_0 = arith.constant 0 : i32
    %c0_i32_1 = arith.constant 0 : i32
    %c0_i32_2 = arith.constant 0 : i32
    return %arg0, %c0_i32, %c0_i32_0, %c0_i32_1 : i32, i32, i32, i32
  }
  func.func @transform_1(%arg0: i32) -> (i32, i32, i32) {
    %c0_i32 = arith.constant 0 : i32
    %c0_i32_0 = arith.constant 0 : i32
    %c0_i32_1 = arith.constant 0 : i32
    return %arg0, %c0_i32, %c0_i32_0 : i32, i32, i32
  }
  func.func @transform_2(%arg0: i32) -> (i32, i32, i32) {
    %c0_i32 = arith.constant 0 : i32
    %c0_i32_0 = arith.constant 0 : i32
    %c0_i32_1 = arith.constant 0 : i32
    return %arg0, %c0_i32, %c0_i32_0 : i32, i32, i32
  }
}

module attributes {stable_mosaic.version = 14 : i64} {
  func.func @_pe_body(%arg0: i32, %arg1: memref<8x215xf32, #tpu.memory_space<vmem>>, %arg2: memref<8x1xf32, #tpu.memory_space<vmem>>, %arg3: memref<8x16x215xf32, #tpu.memory_space<vmem>>) attributes {dimension_semantics = [#tpu.dimension_semantics<arbitrary>], iteration_bounds = array<i64: 16>, scalar_prefetch = 0 : i64, scratch_operands = 0 : i64, tpu.core_type = #tpu.core_type<tc>, window_params = [{transform_indices = @transform_0, window_bounds = array<i64: 8, 215>}, {pipeline_mode = #tpu.pipeline_mode<synchronous>, transform_indices = @transform_1, window_bounds = array<i64: 8, 1>}, {transform_indices = @transform_2, window_bounds = array<i64: 8, 16, 215>}]} {
    %get3A = arith.constant 0 : index
    %get3A_0 = arith.constant 0 : index
    %get3A_1 = vector.load %arg1[%get3A, %get3A_0] : memref<8x215xf32, #tpu.memory_space<vmem>>, vector<8x215xf32>
    %get3A_2 = arith.constant 0 : index
    %get3A_3 = arith.constant 0 : index
    %get3A_4 = vector.load %arg2[%get3A_2, %get3A_3] : memref<8x1xf32, #tpu.memory_space<vmem>>, vector<8x1xf32>
    %broadcast_in_dim3A = vector.shape_cast %get3A_1 : vector<8x215xf32> to vector<8x1x215xf32>
    %broadcast_in_dim3A_5 = vector.shape_cast %get3A_4 : vector<8x1xf32> to vector<1x8x1xf32>
    %div3A = vector.broadcast %broadcast_in_dim3A : vector<8x1x215xf32> to vector<8x8x215xf32>
    %div3A_6 = vector.broadcast %broadcast_in_dim3A_5 : vector<1x8x1xf32> to vector<8x8x215xf32>
    %div3A_7 = arith.divf %div3A, %div3A_6 : vector<8x8x215xf32>
    %sin3A = math.sin %div3A_7 : vector<8x8x215xf32>
    %cos3A = math.cos %div3A_7 : vector<8x8x215xf32>
    %concatenate3A = tpu.concatenate %sin3A, %cos3A in 1 : vector<8x8x215xf32>, vector<8x8x215xf32> -> vector<8x16x215xf32>
    %swap3A = arith.constant 0 : index
    %swap3A_8 = arith.constant 0 : index
    %swap3A_9 = arith.constant 0 : index
    %swap3A_10 = vector.load %arg3[%swap3A, %swap3A_8, %swap3A_9] : memref<8x16x215xf32, #tpu.memory_space<vmem>>, vector<8x16x215xf32>
    tpu.vector_store %arg3[%swap3A, %swap3A_8, %swap3A_9], %concatenate3A {strides = array<i32>} : memref<8x16x215xf32, #tpu.memory_space<vmem>>, vector<8x16x215xf32>,
    return
  }
  func.func @transform_0(%arg0: i32) -> (i32, i32) {
    %c0_i32 = arith.constant 0 : i32
    %c0_i32_0 = arith.constant 0 : i32
    return %arg0, %c0_i32 : i32, i32
  }
  func.func @transform_1(%arg0: i32) -> (i32, i32) {
    %c0_i32 = arith.constant 0 : i32
    %c0_i32_0 = arith.constant 0 : i32
    %c0_i32_1 = arith.constant 0 : i32
    return %c0_i32, %c0_i32_0 : i32, i32
  }
  func.func @transform_2(%arg0: i32) -> (i32, i32, i32) {
    %c0_i32 = arith.constant 0 : i32
    %c0_i32_0 = arith.constant 0 : i32
    %c0_i32_1 = arith.constant 0 : i32
    return %arg0, %c0_i32, %c0_i32_0 : i32, i32, i32
  }
}

module attributes {stable_mosaic.version = 14 : i64} {
  func.func @_gat2_body(%arg0: i32, %arg1: memref<1x3x36x860xf32, #tpu.memory_space<vmem>>, %arg2: memref<1x36x36xf32, #tpu.memory_space<vmem>>, %arg3: memref<1x36x860xf32, #tpu.memory_space<vmem>>, %arg4: memref<1x36x36xf32, #tpu.memory_space<vmem>>) attributes {dimension_semantics = [#tpu.dimension_semantics<arbitrary>], iteration_bounds = array<i64: 128>, scalar_prefetch = 0 : i64, scratch_operands = 0 : i64, tpu.core_type = #tpu.core_type<tc>, window_params = [{transform_indices = @transform_0, window_bounds = array<i64: 1, 3, 36, 860>}, {transform_indices = @transform_1, window_bounds = array<i64: 1, 36, 36>}, {transform_indices = @transform_2, window_bounds = array<i64: 1, 36, 860>}, {transform_indices = @transform_3, window_bounds = array<i64: 1, 36, 36>}]} {
    %get3A = arith.constant 0 : index
    %get3A_0 = arith.constant 0 : index
    %get3A_1 = arith.constant 0 : index
    %get3A_2 = arith.constant 0 : index
    %get3A_3 = vector.load %arg1[%get3A, %get3A_0, %get3A_1, %get3A_2] : memref<1x3x36x860xf32, #tpu.memory_space<vmem>>, vector<1x1x36x860xf32>
    %get3A_4 = vector.shape_cast %get3A_3 : vector<1x1x36x860xf32> to vector<36x860xf32>
    %get3A_5 = arith.constant 0 : index
    %get3A_6 = arith.constant 1 : index
    %get3A_7 = arith.constant 0 : index
    %get3A_8 = arith.constant 0 : index
    %get3A_9 = vector.load %arg1[%get3A_5, %get3A_6, %get3A_7, %get3A_8] : memref<1x3x36x860xf32, #tpu.memory_space<vmem>>, vector<1x1x36x860xf32>
    %get3A_10 = vector.shape_cast %get3A_9 : vector<1x1x36x860xf32> to vector<36x860xf32>
    %get3A_11 = arith.constant 0 : index
    %get3A_12 = arith.constant 2 : index
    %get3A_13 = arith.constant 0 : index
    %get3A_14 = arith.constant 0 : index
    %get3A_15 = vector.load %arg1[%get3A_11, %get3A_12, %get3A_13, %get3A_14] : memref<1x3x36x860xf32, #tpu.memory_space<vmem>>, vector<1x1x36x860xf32>
    %get3A_16 = vector.shape_cast %get3A_15 : vector<1x1x36x860xf32> to vector<36x860xf32>
    %dot_general3A = arith.constant dense<0.000000e+00> : vector<36x36xf32>
    %dot_general3A_17 = tpu.matmul %get3A_10, %get3A_4, %dot_general3A {dimension_numbers = #tpu.dot_dimension_numbers<[1], [1], [0], [0], [0, 0, 1, 0], [], []>, transpose_lhs_hint = false} : vector<36x860xf32>, vector<36x860xf32>, vector<36x36xf32> -> vector<36x36xf32>
    %sqrt3A = arith.constant 8.600000e+02 : f32
    %sqrt3A_18 = math.sqrt %sqrt3A : f32
    %div3A = vector.broadcast %sqrt3A_18 : f32 to vector<36x36xf32>
    %div3A_19 = arith.divf %dot_general3A_17, %div3A : vector<36x36xf32>
    %get3A_20 = arith.constant 0 : index
    %get3A_21 = arith.constant 0 : index
    %get3A_22 = arith.constant 0 : index
    %get3A_23 = vector.load %arg2[%get3A_20, %get3A_21, %get3A_22] : memref<1x36x36xf32, #tpu.memory_space<vmem>>, vector<1x36x36xf32>
    %get3A_24 = vector.shape_cast %get3A_23 : vector<1x36x36xf32> to vector<36x36xf32>
    %mul3A = arith.mulf %div3A_19, %get3A_24 : vector<36x36xf32>
    %reduce_max3A = arith.constant dense<0xFF800000> : vector<36xf32>
    %reduce_max3A_25 = vector.multi_reduction <maximumf>, %mul3A, %reduce_max3A [0] : vector<36x36xf32> to vector<36xf32>
    %broadcast_in_dim3A = vector.shape_cast %reduce_max3A_25 : vector<36xf32> to vector<1x36xf32>
    %sub3A = vector.broadcast %broadcast_in_dim3A : vector<1x36xf32> to vector<36x36xf32>
    %sub3A_26 = arith.subf %mul3A, %sub3A : vector<36x36xf32>
    %exp3A = math.exp %sub3A_26 : vector<36x36xf32>
    %reduce_sum3A = arith.constant dense<0.000000e+00> : vector<36xf32>
    %reduce_sum3A_27 = vector.multi_reduction <add>, %exp3A, %reduce_sum3A [0] : vector<36x36xf32> to vector<36xf32>
    %broadcast_in_dim3A_28 = vector.shape_cast %reduce_sum3A_27 : vector<36xf32> to vector<1x36xf32>
    %add3A = arith.constant 1.000000e-16 : f32
    %add3A_29 = vector.broadcast %add3A : f32 to vector<1x36xf32>
    %add3A_30 = arith.addf %broadcast_in_dim3A_28, %add3A_29 : vector<1x36xf32>
    %div3A_31 = vector.broadcast %add3A_30 : vector<1x36xf32> to vector<36x36xf32>
    %div3A_32 = arith.divf %exp3A, %div3A_31 : vector<36x36xf32>
    %dot_general3A_33 = arith.constant dense<0.000000e+00> : vector<36x860xf32>
    %dot_general3A_34 = tpu.matmul %div3A_32, %get3A_16, %dot_general3A_33 {dimension_numbers = #tpu.dot_dimension_numbers<[0], [0], [1], [1], [0, 1, 1, 1], [], []>, transpose_lhs_hint = false} : vector<36x36xf32>, vector<36x860xf32>, vector<36x860xf32> -> vector<36x860xf32>
    %swap3A = arith.constant 0 : index
    %swap3A_35 = arith.constant 0 : index
    %swap3A_36 = arith.constant 0 : index
    %swap3A_37 = vector.load %arg3[%swap3A, %swap3A_35, %swap3A_36] : memref<1x36x860xf32, #tpu.memory_space<vmem>>, vector<1x36x860xf32>
    %swap3A_38 = vector.shape_cast %swap3A_37 : vector<1x36x860xf32> to vector<36x860xf32>
    %swap3A_39 = vector.shape_cast %dot_general3A_34 : vector<36x860xf32> to vector<1x36x860xf32>
    tpu.vector_store %arg3[%swap3A, %swap3A_35, %swap3A_36], %swap3A_39 {strides = array<i32>} : memref<1x36x860xf32, #tpu.memory_space<vmem>>, vector<1x36x860xf32>,
    %swap3A_40 = arith.constant 0 : index
    %swap3A_41 = arith.constant 0 : index
    %swap3A_42 = arith.constant 0 : index
    %swap3A_43 = vector.load %arg4[%swap3A_40, %swap3A_41, %swap3A_42] : memref<1x36x36xf32, #tpu.memory_space<vmem>>, vector<1x36x36xf32>
    %swap3A_44 = vector.shape_cast %swap3A_43 : vector<1x36x36xf32> to vector<36x36xf32>
    %swap3A_45 = vector.shape_cast %div3A_32 : vector<36x36xf32> to vector<1x36x36xf32>
    tpu.vector_store %arg4[%swap3A_40, %swap3A_41, %swap3A_42], %swap3A_45 {strides = array<i32>} : memref<1x36x36xf32, #tpu.memory_space<vmem>>, vector<1x36x36xf32>,
    return
  }
  func.func @transform_0(%arg0: i32) -> (i32, i32, i32, i32) {
    %c0_i32 = arith.constant 0 : i32
    %c0_i32_0 = arith.constant 0 : i32
    %c0_i32_1 = arith.constant 0 : i32
    %c0_i32_2 = arith.constant 0 : i32
    return %arg0, %c0_i32, %c0_i32_0, %c0_i32_1 : i32, i32, i32, i32
  }
  func.func @transform_1(%arg0: i32) -> (i32, i32, i32) {
    %c0_i32 = arith.constant 0 : i32
    %c0_i32_0 = arith.constant 0 : i32
    %c0_i32_1 = arith.constant 0 : i32
    return %arg0, %c0_i32, %c0_i32_0 : i32, i32, i32
  }
  func.func @transform_2(%arg0: i32) -> (i32, i32, i32) {
    %c0_i32 = arith.constant 0 : i32
    %c0_i32_0 = arith.constant 0 : i32
    %c0_i32_1 = arith.constant 0 : i32
    return %arg0, %c0_i32, %c0_i32_0 : i32, i32, i32
  }
  func.func @transform_3(%arg0: i32) -> (i32, i32, i32) {
    %c0_i32 = arith.constant 0 : i32
    %c0_i32_0 = arith.constant 0 : i32
    %c0_i32_1 = arith.constant 0 : i32
    return %arg0, %c0_i32, %c0_i32_0 : i32, i32, i32
  }
}

module attributes {stable_mosaic.version = 14 : i64} {
  func.func @_enc_body(%arg0: i32, %arg1: memref<1x215x160xf32, #tpu.memory_space<vmem>>, %arg2: memref<1x1x215xf32, #tpu.memory_space<vmem>>, %arg3: memref<8x160x20xf32, #tpu.memory_space<vmem>>, %arg4: memref<8x160x20xf32, #tpu.memory_space<vmem>>, %arg5: memref<8x160x20xf32, #tpu.memory_space<vmem>>, %arg6: memref<8x20x160xf32, #tpu.memory_space<vmem>>, %arg7: memref<160x512xf32, #tpu.memory_space<vmem>>, %arg8: memref<512x160xf32, #tpu.memory_space<vmem>>, %arg9: memref<1x215x160xf32, #tpu.memory_space<vmem>>) attributes {dimension_semantics = [#tpu.dimension_semantics<arbitrary>], iteration_bounds = array<i64: 128>, scalar_prefetch = 0 : i64, scratch_operands = 0 : i64, tpu.core_type = #tpu.core_type<tc>, window_params = [{transform_indices = @transform_0, window_bounds = array<i64: 1, 215, 160>}, {transform_indices = @transform_1, window_bounds = array<i64: 1, 1, 215>}, {pipeline_mode = #tpu.pipeline_mode<synchronous>, transform_indices = @transform_2, window_bounds = array<i64: 8, 160, 20>}, {pipeline_mode = #tpu.pipeline_mode<synchronous>, transform_indices = @transform_3, window_bounds = array<i64: 8, 160, 20>}, {pipeline_mode = #tpu.pipeline_mode<synchronous>, transform_indices = @transform_4, window_bounds = array<i64: 8, 160, 20>}, {pipeline_mode = #tpu.pipeline_mode<synchronous>, transform_indices = @transform_5, window_bounds = array<i64: 8, 20, 160>}, {pipeline_mode = #tpu.pipeline_mode<synchronous>, transform_indices = @transform_6, window_bounds = array<i64: 160, 512>}, {pipeline_mode = #tpu.pipeline_mode<synchronous>, transform_indices = @transform_7, window_bounds = array<i64: 512, 160>}, {transform_indices = @transform_8, window_bounds = array<i64: 1, 215, 160>}]} {
    %get3A = arith.constant 0 : index
    %get3A_0 = arith.constant 0 : index
    %get3A_1 = arith.constant 0 : index
    %get3A_2 = vector.load %arg1[%get3A, %get3A_0, %get3A_1] : memref<1x215x160xf32, #tpu.memory_space<vmem>>, vector<1x215x160xf32>
    %get3A_3 = vector.shape_cast %get3A_2 : vector<1x215x160xf32> to vector<215x160xf32>
    %get3A_4 = arith.constant 0 : index
    %get3A_5 = arith.constant 0 : index
    %get3A_6 = arith.constant 0 : index
    %get3A_7 = vector.load %arg2[%get3A_4, %get3A_5, %get3A_6] : memref<1x1x215xf32, #tpu.memory_space<vmem>>, vector<1x1x215xf32>
    %get3A_8 = vector.shape_cast %get3A_7 : vector<1x1x215xf32> to vector<1x215xf32>
    %gt3A = arith.constant 5.000000e-01 : f32
    %gt3A_9 = vector.broadcast %gt3A : f32 to vector<1x215xf32>
    %gt3A_10 = arith.cmpf ogt, %get3A_8, %gt3A_9 : vector<1x215xf32>
    %broadcast_in_dim3A = arith.constant 0.000000e+00 : f32
    %broadcast_in_dim3A_11 = vector.broadcast %broadcast_in_dim3A : f32 to vector<215x160xf32>
    %get3A_12 = arith.constant 0 : index
    %get3A_13 = arith.constant 0 : index
    %get3A_14 = arith.constant 0 : index
    %get3A_15 = vector.load %arg3[%get3A_12, %get3A_13, %get3A_14] : memref<8x160x20xf32, #tpu.memory_space<vmem>>, vector<1x160x20xf32>
    %get3A_16 = vector.shape_cast %get3A_15 : vector<1x160x20xf32> to vector<160x20xf32>
    %dot_general3A = arith.constant dense<0.000000e+00> : vector<215x20xf32>
    %dot_general3A_17 = tpu.matmul %get3A_3, %get3A_16, %dot_general3A {dimension_numbers = #tpu.dot_dimension_numbers<[1], [0], [0], [1], [0, 0, 1, 1], [], []>, transpose_lhs_hint = false} : vector<215x160xf32>, vector<160x20xf32>, vector<215x20xf32> -> vector<215x20xf32>
    %get3A_18 = arith.constant 0 : index
    %get3A_19 = arith.constant 0 : index
    %get3A_20 = arith.constant 0 : index
    %get3A_21 = vector.load %arg4[%get3A_18, %get3A_19, %get3A_20] : memref<8x160x20xf32, #tpu.memory_space<vmem>>, vector<1x160x20xf32>
    %get3A_22 = vector.shape_cast %get3A_21 : vector<1x160x20xf32> to vector<160x20xf32>
    %dot_general3A_23 = arith.constant dense<0.000000e+00> : vector<215x20xf32>
    %dot_general3A_24 = tpu.matmul %get3A_3, %get3A_22, %dot_general3A_23 {dimension_numbers = #tpu.dot_dimension_numbers<[1], [0], [0], [1], [0, 0, 1, 1], [], []>, transpose_lhs_hint = false} : vector<215x160xf32>, vector<160x20xf32>, vector<215x20xf32> -> vector<215x20xf32>
    %get3A_25 = arith.constant 0 : index
    %get3A_26 = arith.constant 0 : index
    %get3A_27 = arith.constant 0 : index
    %get3A_28 = vector.load %arg5[%get3A_25, %get3A_26, %get3A_27] : memref<8x160x20xf32, #tpu.memory_space<vmem>>, vector<1x160x20xf32>
    %get3A_29 = vector.shape_cast %get3A_28 : vector<1x160x20xf32> to vector<160x20xf32>
    %dot_general3A_30 = arith.constant dense<0.000000e+00> : vector<215x20xf32>
    %dot_general3A_31 = tpu.matmul %get3A_3, %get3A_29, %dot_general3A_30 {dimension_numbers = #tpu.dot_dimension_numbers<[1], [0], [0], [1], [0, 0, 1, 1], [], []>, transpose_lhs_hint = false} : vector<215x160xf32>, vector<160x20xf32>, vector<215x20xf32> -> vector<215x20xf32>
    %dot_general3A_32 = arith.constant dense<0.000000e+00> : vector<215x215xf32>
    %dot_general3A_33 = tpu.matmul %dot_general3A_17, %dot_general3A_24, %dot_general3A_32 {dimension_numbers = #tpu.dot_dimension_numbers<[1], [1], [0], [0], [0, 0, 1, 0], [], []>, transpose_lhs_hint = false} : vector<215x20xf32>, vector<215x20xf32>, vector<215x215xf32> -> vector<215x215xf32>
    %sqrt3A = arith.constant 2.000000e+01 : f32
    %sqrt3A_34 = math.sqrt %sqrt3A : f32
    %div3A = vector.broadcast %sqrt3A_34 : f32 to vector<215x215xf32>
    %div3A_35 = arith.divf %dot_general3A_33, %div3A : vector<215x215xf32>
    %jit3A = arith.constant -1.000000e+09 : f32
    %broadcast_in_dim3A_36 = vector.shape_cast %gt3A_10 : vector<1x215xi1> to vector<1x215xi1>
    %broadcast_in_dim3A_37 = vector.broadcast %broadcast_in_dim3A_36 : vector<1x215xi1> to vector<215x215xi1>
    %broadcast_in_dim3A_38 = vector.broadcast %jit3A : f32 to vector<215x215xf32>
    %select_n3A = arith.select %broadcast_in_dim3A_37, %broadcast_in_dim3A_38, %div3A_35 : vector<215x215xi1>, vector<215x215xf32>
    %reduce_max3A = arith.constant dense<0xFF800000> : vector<215xf32>
    %reduce_max3A_39 = vector.multi_reduction <maximumf>, %select_n3A, %reduce_max3A [1] : vector<215x215xf32> to vector<215xf32>
    %broadcast_in_dim3A_40 = vector.shape_cast %reduce_max3A_39 : vector<215xf32> to vector<215x1xf32>
    %sub3A = vector.broadcast %broadcast_in_dim3A_40 : vector<215x1xf32> to vector<215x215xf32>
    %sub3A_41 = arith.subf %select_n3A, %sub3A : vector<215x215xf32>
    %exp3A = math.exp %sub3A_41 : vector<215x215xf32>
    %reduce_sum3A = arith.constant dense<0.000000e+00> : vector<215xf32>
    %reduce_sum3A_42 = vector.multi_reduction <add>, %exp3A, %reduce_sum3A [1] : vector<215x215xf32> to vector<215xf32>
    %broadcast_in_dim3A_43 = vector.shape_cast %reduce_sum3A_42 : vector<215xf32> to vector<215x1xf32>
    %div3A_44 = vector.broadcast %broadcast_in_dim3A_43 : vector<215x1xf32> to vector<215x215xf32>
    %div3A_45 = arith.divf %exp3A, %div3A_44 : vector<215x215xf32>
    %dot_general3A_46 = arith.constant dense<0.000000e+00> : vector<215x20xf32>
    %dot_general3A_47 = tpu.matmul %div3A_45, %dot_general3A_31, %dot_general3A_46 {dimension_numbers = #tpu.dot_dimension_numbers<[1], [0], [0], [1], [0, 0, 1, 1], [], []>, transpose_lhs_hint = false} : vector<215x215xf32>, vector<215x20xf32>, vector<215x20xf32> -> vector<215x20xf32>
    %get3A_48 = arith.constant 0 : index
    %get3A_49 = arith.constant 0 : index
    %get3A_50 = arith.constant 0 : index
    %get3A_51 = vector.load %arg6[%get3A_48, %get3A_49, %get3A_50] : memref<8x20x160xf32, #tpu.memory_space<vmem>>, vector<1x20x160xf32>
    %get3A_52 = vector.shape_cast %get3A_51 : vector<1x20x160xf32> to vector<20x160xf32>
    %dot_general3A_53 = arith.constant dense<0.000000e+00> : vector<215x160xf32>
    %dot_general3A_54 = tpu.matmul %dot_general3A_47, %get3A_52, %dot_general3A_53 {dimension_numbers = #tpu.dot_dimension_numbers<[1], [0], [0], [1], [0, 0, 1, 1], [], []>, transpose_lhs_hint = false} : vector<215x20xf32>, vector<20x160xf32>, vector<215x160xf32> -> vector<215x160xf32>
    %add3A = arith.addf %broadcast_in_dim3A_11, %dot_general3A_54 : vector<215x160xf32>
    %get3A_55 = arith.constant 1 : index
    %get3A_56 = arith.constant 0 : index
    %get3A_57 = arith.constant 0 : index
    %get3A_58 = vector.load %arg3[%get3A_55, %get3A_56, %get3A_57] : memref<8x160x20xf32, #tpu.memory_space<vmem>>, vector<1x160x20xf32>
    %get3A_59 = vector.shape_cast %get3A_58 : vector<1x160x20xf32> to vector<160x20xf32>
    %dot_general3A_60 = arith.constant dense<0.000000e+00> : vector<215x20xf32>
    %dot_general3A_61 = tpu.matmul %get3A_3, %get3A_59, %dot_general3A_60 {dimension_numbers = #tpu.dot_dimension_numbers<[1], [0], [0], [1], [0, 0, 1, 1], [], []>, transpose_lhs_hint = false} : vector<215x160xf32>, vector<160x20xf32>, vector<215x20xf32> -> vector<215x20xf32>
    %get3A_62 = arith.constant 1 : index
    %get3A_63 = arith.constant 0 : index
    %get3A_64 = arith.constant 0 : index
    %get3A_65 = vector.load %arg4[%get3A_62, %get3A_63, %get3A_64] : memref<8x160x20xf32, #tpu.memory_space<vmem>>, vector<1x160x20xf32>
    %get3A_66 = vector.shape_cast %get3A_65 : vector<1x160x20xf32> to vector<160x20xf32>
    %dot_general3A_67 = arith.constant dense<0.000000e+00> : vector<215x20xf32>
    %dot_general3A_68 = tpu.matmul %get3A_3, %get3A_66, %dot_general3A_67 {dimension_numbers = #tpu.dot_dimension_numbers<[1], [0], [0], [1], [0, 0, 1, 1], [], []>, transpose_lhs_hint = false} : vector<215x160xf32>, vector<160x20xf32>, vector<215x20xf32> -> vector<215x20xf32>
    %get3A_69 = arith.constant 1 : index
    %get3A_70 = arith.constant 0 : index
    %get3A_71 = arith.constant 0 : index
    %get3A_72 = vector.load %arg5[%get3A_69, %get3A_70, %get3A_71] : memref<8x160x20xf32, #tpu.memory_space<vmem>>, vector<1x160x20xf32>
    %get3A_73 = vector.shape_cast %get3A_72 : vector<1x160x20xf32> to vector<160x20xf32>
    %dot_general3A_74 = arith.constant dense<0.000000e+00> : vector<215x20xf32>
    %dot_general3A_75 = tpu.matmul %get3A_3, %get3A_73, %dot_general3A_74 {dimension_numbers = #tpu.dot_dimension_numbers<[1], [0], [0], [1], [0, 0, 1, 1], [], []>, transpose_lhs_hint = false} : vector<215x160xf32>, vector<160x20xf32>, vector<215x20xf32> -> vector<215x20xf32>
    %dot_general3A_76 = arith.constant dense<0.000000e+00> : vector<215x215xf32>
    %dot_general3A_77 = tpu.matmul %dot_general3A_61, %dot_general3A_68, %dot_general3A_76 {dimension_numbers = #tpu.dot_dimension_numbers<[1], [1], [0], [0], [0, 0, 1, 0], [], []>, transpose_lhs_hint = false} : vector<215x20xf32>, vector<215x20xf32>, vector<215x215xf32> -> vector<215x215xf32>
    %sqrt3A_78 = arith.constant 2.000000e+01 : f32
    %sqrt3A_79 = math.sqrt %sqrt3A_78 : f32
    %div3A_80 = vector.broadcast %sqrt3A_79 : f32 to vector<215x215xf32>
    %div3A_81 = arith.divf %dot_general3A_77, %div3A_80 : vector<215x215xf32>
    %jit3A_82 = arith.constant -1.000000e+09 : f32
    %broadcast_in_dim3A_83 = vector.shape_cast %gt3A_10 : vector<1x215xi1> to vector<1x215xi1>
    %broadcast_in_dim3A_84 = vector.broadcast %broadcast_in_dim3A_83 : vector<1x215xi1> to vector<215x215xi1>
    %broadcast_in_dim3A_85 = vector.broadcast %jit3A_82 : f32 to vector<215x215xf32>
    %select_n3A_86 = arith.select %broadcast_in_dim3A_84, %broadcast_in_dim3A_85, %div3A_81 : vector<215x215xi1>, vector<215x215xf32>
    %reduce_max3A_87 = arith.constant dense<0xFF800000> : vector<215xf32>
    %reduce_max3A_88 = vector.multi_reduction <maximumf>, %select_n3A_86, %reduce_max3A_87 [1] : vector<215x215xf32> to vector<215xf32>
    %broadcast_in_dim3A_89 = vector.shape_cast %reduce_max3A_88 : vector<215xf32> to vector<215x1xf32>
    %sub3A_90 = vector.broadcast %broadcast_in_dim3A_89 : vector<215x1xf32> to vector<215x215xf32>
    %sub3A_91 = arith.subf %select_n3A_86, %sub3A_90 : vector<215x215xf32>
    %exp3A_92 = math.exp %sub3A_91 : vector<215x215xf32>
    %reduce_sum3A_93 = arith.constant dense<0.000000e+00> : vector<215xf32>
    %reduce_sum3A_94 = vector.multi_reduction <add>, %exp3A_92, %reduce_sum3A_93 [1] : vector<215x215xf32> to vector<215xf32>
    %broadcast_in_dim3A_95 = vector.shape_cast %reduce_sum3A_94 : vector<215xf32> to vector<215x1xf32>
    %div3A_96 = vector.broadcast %broadcast_in_dim3A_95 : vector<215x1xf32> to vector<215x215xf32>
    %div3A_97 = arith.divf %exp3A_92, %div3A_96 : vector<215x215xf32>
    %dot_general3A_98 = arith.constant dense<0.000000e+00> : vector<215x20xf32>
    %dot_general3A_99 = tpu.matmul %div3A_97, %dot_general3A_75, %dot_general3A_98 {dimension_numbers = #tpu.dot_dimension_numbers<[1], [0], [0], [1], [0, 0, 1, 1], [], []>, transpose_lhs_hint = false} : vector<215x215xf32>, vector<215x20xf32>, vector<215x20xf32> -> vector<215x20xf32>
    %get3A_100 = arith.constant 1 : index
    %get3A_101 = arith.constant 0 : index
    %get3A_102 = arith.constant 0 : index
    %get3A_103 = vector.load %arg6[%get3A_100, %get3A_101, %get3A_102] : memref<8x20x160xf32, #tpu.memory_space<vmem>>, vector<1x20x160xf32>
    %get3A_104 = vector.shape_cast %get3A_103 : vector<1x20x160xf32> to vector<20x160xf32>
    %dot_general3A_105 = arith.constant dense<0.000000e+00> : vector<215x160xf32>
    %dot_general3A_106 = tpu.matmul %dot_general3A_99, %get3A_104, %dot_general3A_105 {dimension_numbers = #tpu.dot_dimension_numbers<[1], [0], [0], [1], [0, 0, 1, 1], [], []>, transpose_lhs_hint = false} : vector<215x20xf32>, vector<20x160xf32>, vector<215x160xf32> -> vector<215x160xf32>
    %add3A_107 = arith.addf %add3A, %dot_general3A_106 : vector<215x160xf32>
    %get3A_108 = arith.constant 2 : index
    %get3A_109 = arith.constant 0 : index
    %get3A_110 = arith.constant 0 : index
    %get3A_111 = vector.load %arg3[%get3A_108, %get3A_109, %get3A_110] : memref<8x160x20xf32, #tpu.memory_space<vmem>>, vector<1x160x20xf32>
    %get3A_112 = vector.shape_cast %get3A_111 : vector<1x160x20xf32> to vector<160x20xf32>
    %dot_general3A_113 = arith.constant dense<0.000000e+00> : vector<215x20xf32>
    %dot_general3A_114 = tpu.matmul %get3A_3, %get3A_112, %dot_general3A_113 {dimension_numbers = #tpu.dot_dimension_numbers<[1], [0], [0], [1], [0, 0, 1, 1], [], []>, transpose_lhs_hint = false} : vector<215x160xf32>, vector<160x20xf32>, vector<215x20xf32> -> vector<215x20xf32>
    %get3A_115 = arith.constant 2 : index
    %get3A_116 = arith.constant 0 : index
    %get3A_117 = arith.constant 0 : index
    %get3A_118 = vector.load %arg4[%get3A_115, %get3A_116, %get3A_117] : memref<8x160x20xf32, #tpu.memory_space<vmem>>, vector<1x160x20xf32>
    %get3A_119 = vector.shape_cast %get3A_118 : vector<1x160x20xf32> to vector<160x20xf32>
    %dot_general3A_120 = arith.constant dense<0.000000e+00> : vector<215x20xf32>
    %dot_general3A_121 = tpu.matmul %get3A_3, %get3A_119, %dot_general3A_120 {dimension_numbers = #tpu.dot_dimension_numbers<[1], [0], [0], [1], [0, 0, 1, 1], [], []>, transpose_lhs_hint = false} : vector<215x160xf32>, vector<160x20xf32>, vector<215x20xf32> -> vector<215x20xf32>
    %get3A_122 = arith.constant 2 : index
    %get3A_123 = arith.constant 0 : index
    %get3A_124 = arith.constant 0 : index
    %get3A_125 = vector.load %arg5[%get3A_122, %get3A_123, %get3A_124] : memref<8x160x20xf32, #tpu.memory_space<vmem>>, vector<1x160x20xf32>
    %get3A_126 = vector.shape_cast %get3A_125 : vector<1x160x20xf32> to vector<160x20xf32>
    %dot_general3A_127 = arith.constant dense<0.000000e+00> : vector<215x20xf32>
    %dot_general3A_128 = tpu.matmul %get3A_3, %get3A_126, %dot_general3A_127 {dimension_numbers = #tpu.dot_dimension_numbers<[1], [0], [0], [1], [0, 0, 1, 1], [], []>, transpose_lhs_hint = false} : vector<215x160xf32>, vector<160x20xf32>, vector<215x20xf32> -> vector<215x20xf32>
    %dot_general3A_129 = arith.constant dense<0.000000e+00> : vector<215x215xf32>
    %dot_general3A_130 = tpu.matmul %dot_general3A_114, %dot_general3A_121, %dot_general3A_129 {dimension_numbers = #tpu.dot_dimension_numbers<[1], [1], [0], [0], [0, 0, 1, 0], [], []>, transpose_lhs_hint = false} : vector<215x20xf32>, vector<215x20xf32>, vector<215x215xf32> -> vector<215x215xf32>
    %sqrt3A_131 = arith.constant 2.000000e+01 : f32
    %sqrt3A_132 = math.sqrt %sqrt3A_131 : f32
    %div3A_133 = vector.broadcast %sqrt3A_132 : f32 to vector<215x215xf32>
    %div3A_134 = arith.divf %dot_general3A_130, %div3A_133 : vector<215x215xf32>
    %jit3A_135 = arith.constant -1.000000e+09 : f32
    %broadcast_in_dim3A_136 = vector.shape_cast %gt3A_10 : vector<1x215xi1> to vector<1x215xi1>
    %broadcast_in_dim3A_137 = vector.broadcast %broadcast_in_dim3A_136 : vector<1x215xi1> to vector<215x215xi1>
    %broadcast_in_dim3A_138 = vector.broadcast %jit3A_135 : f32 to vector<215x215xf32>
    %select_n3A_139 = arith.select %broadcast_in_dim3A_137, %broadcast_in_dim3A_138, %div3A_134 : vector<215x215xi1>, vector<215x215xf32>
    %reduce_max3A_140 = arith.constant dense<0xFF800000> : vector<215xf32>
    %reduce_max3A_141 = vector.multi_reduction <maximumf>, %select_n3A_139, %reduce_max3A_140 [1] : vector<215x215xf32> to vector<215xf32>
    %broadcast_in_dim3A_142 = vector.shape_cast %reduce_max3A_141 : vector<215xf32> to vector<215x1xf32>
    %sub3A_143 = vector.broadcast %broadcast_in_dim3A_142 : vector<215x1xf32> to vector<215x215xf32>
    %sub3A_144 = arith.subf %select_n3A_139, %sub3A_143 : vector<215x215xf32>
    %exp3A_145 = math.exp %sub3A_144 : vector<215x215xf32>
    %reduce_sum3A_146 = arith.constant dense<0.000000e+00> : vector<215xf32>
    %reduce_sum3A_147 = vector.multi_reduction <add>, %exp3A_145, %reduce_sum3A_146 [1] : vector<215x215xf32> to vector<215xf32>
    %broadcast_in_dim3A_148 = vector.shape_cast %reduce_sum3A_147 : vector<215xf32> to vector<215x1xf32>
    %div3A_149 = vector.broadcast %broadcast_in_dim3A_148 : vector<215x1xf32> to vector<215x215xf32>
    %div3A_150 = arith.divf %exp3A_145, %div3A_149 : vector<215x215xf32>
    %dot_general3A_151 = arith.constant dense<0.000000e+00> : vector<215x20xf32>
    %dot_general3A_152 = tpu.matmul %div3A_150, %dot_general3A_128, %dot_general3A_151 {dimension_numbers = #tpu.dot_dimension_numbers<[1], [0], [0], [1], [0, 0, 1, 1], [], []>, transpose_lhs_hint = false} : vector<215x215xf32>, vector<215x20xf32>, vector<215x20xf32> -> vector<215x20xf32>
    %get3A_153 = arith.constant 2 : index
    %get3A_154 = arith.constant 0 : index
    %get3A_155 = arith.constant 0 : index
    %get3A_156 = vector.load %arg6[%get3A_153, %get3A_154, %get3A_155] : memref<8x20x160xf32, #tpu.memory_space<vmem>>, vector<1x20x160xf32>
    %get3A_157 = vector.shape_cast %get3A_156 : vector<1x20x160xf32> to vector<20x160xf32>
    %dot_general3A_158 = arith.constant dense<0.000000e+00> : vector<215x160xf32>
    %dot_general3A_159 = tpu.matmul %dot_general3A_152, %get3A_157, %dot_general3A_158 {dimension_numbers = #tpu.dot_dimension_numbers<[1], [0], [0], [1], [0, 0, 1, 1], [], []>, transpose_lhs_hint = false} : vector<215x20xf32>, vector<20x160xf32>, vector<215x160xf32> -> vector<215x160xf32>
    %add3A_160 = arith.addf %add3A_107, %dot_general3A_159 : vector<215x160xf32>
    %get3A_161 = arith.constant 3 : index
    %get3A_162 = arith.constant 0 : index
    %get3A_163 = arith.constant 0 : index
    %get3A_164 = vector.load %arg3[%get3A_161, %get3A_162, %get3A_163] : memref<8x160x20xf32, #tpu.memory_space<vmem>>, vector<1x160x20xf32>
    %get3A_165 = vector.shape_cast %get3A_164 : vector<1x160x20xf32> to vector<160x20xf32>
    %dot_general3A_166 = arith.constant dense<0.000000e+00> : vector<215x20xf32>
    %dot_general3A_167 = tpu.matmul %get3A_3, %get3A_165, %dot_general3A_166 {dimension_numbers = #tpu.dot_dimension_numbers<[1], [0], [0], [1], [0, 0, 1, 1], [], []>, transpose_lhs_hint = false} : vector<215x160xf32>, vector<160x20xf32>, vector<215x20xf32> -> vector<215x20xf32>
    %get3A_168 = arith.constant 3 : index
    %get3A_169 = arith.constant 0 : index
    %get3A_170 = arith.constant 0 : index
    %get3A_171 = vector.load %arg4[%get3A_168, %get3A_169, %get3A_170] : memref<8x160x20xf32, #tpu.memory_space<vmem>>, vector<1x160x20xf32>
    %get3A_172 = vector.shape_cast %get3A_171 : vector<1x160x20xf32> to vector<160x20xf32>
    %dot_general3A_173 = arith.constant dense<0.000000e+00> : vector<215x20xf32>
    %dot_general3A_174 = tpu.matmul %get3A_3, %get3A_172, %dot_general3A_173 {dimension_numbers = #tpu.dot_dimension_numbers<[1], [0], [0], [1], [0, 0, 1, 1], [], []>, transpose_lhs_hint = false} : vector<215x160xf32>, vector<160x20xf32>, vector<215x20xf32> -> vector<215x20xf32>
    %get3A_175 = arith.constant 3 : index
    %get3A_176 = arith.constant 0 : index
    %get3A_177 = arith.constant 0 : index
    %get3A_178 = vector.load %arg5[%get3A_175, %get3A_176, %get3A_177] : memref<8x160x20xf32, #tpu.memory_space<vmem>>, vector<1x160x20xf32>
    %get3A_179 = vector.shape_cast %get3A_178 : vector<1x160x20xf32> to vector<160x20xf32>
    %dot_general3A_180 = arith.constant dense<0.000000e+00> : vector<215x20xf32>
    %dot_general3A_181 = tpu.matmul %get3A_3, %get3A_179, %dot_general3A_180 {dimension_numbers = #tpu.dot_dimension_numbers<[1], [0], [0], [1], [0, 0, 1, 1], [], []>, transpose_lhs_hint = false} : vector<215x160xf32>, vector<160x20xf32>, vector<215x20xf32> -> vector<215x20xf32>
    %dot_general3A_182 = arith.constant dense<0.000000e+00> : vector<215x215xf32>
    %dot_general3A_183 = tpu.matmul %dot_general3A_167, %dot_general3A_174, %dot_general3A_182 {dimension_numbers = #tpu.dot_dimension_numbers<[1], [1], [0], [0], [0, 0, 1, 0], [], []>, transpose_lhs_hint = false} : vector<215x20xf32>, vector<215x20xf32>, vector<215x215xf32> -> vector<215x215xf32>
    %sqrt3A_184 = arith.constant 2.000000e+01 : f32
    %sqrt3A_185 = math.sqrt %sqrt3A_184 : f32
    %div3A_186 = vector.broadcast %sqrt3A_185 : f32 to vector<215x215xf32>
    %div3A_187 = arith.divf %dot_general3A_183, %div3A_186 : vector<215x215xf32>
    %jit3A_188 = arith.constant -1.000000e+09 : f32
    %broadcast_in_dim3A_189 = vector.shape_cast %gt3A_10 : vector<1x215xi1> to vector<1x215xi1>
    %broadcast_in_dim3A_190 = vector.broadcast %broadcast_in_dim3A_189 : vector<1x215xi1> to vector<215x215xi1>
    %broadcast_in_dim3A_191 = vector.broadcast %jit3A_188 : f32 to vector<215x215xf32>
    %select_n3A_192 = arith.select %broadcast_in_dim3A_190, %broadcast_in_dim3A_191, %div3A_187 : vector<215x215xi1>, vector<215x215xf32>
    %reduce_max3A_193 = arith.constant dense<0xFF800000> : vector<215xf32>
    %reduce_max3A_194 = vector.multi_reduction <maximumf>, %select_n3A_192, %reduce_max3A_193 [1] : vector<215x215xf32> to vector<215xf32>
    %broadcast_in_dim3A_195 = vector.shape_cast %reduce_max3A_194 : vector<215xf32> to vector<215x1xf32>
    %sub3A_196 = vector.broadcast %broadcast_in_dim3A_195 : vector<215x1xf32> to vector<215x215xf32>
    %sub3A_197 = arith.subf %select_n3A_192, %sub3A_196 : vector<215x215xf32>
    %exp3A_198 = math.exp %sub3A_197 : vector<215x215xf32>
    %reduce_sum3A_199 = arith.constant dense<0.000000e+00> : vector<215xf32>
    %reduce_sum3A_200 = vector.multi_reduction <add>, %exp3A_198, %reduce_sum3A_199 [1] : vector<215x215xf32> to vector<215xf32>
    %broadcast_in_dim3A_201 = vector.shape_cast %reduce_sum3A_200 : vector<215xf32> to vector<215x1xf32>
    %div3A_202 = vector.broadcast %broadcast_in_dim3A_201 : vector<215x1xf32> to vector<215x215xf32>
    %div3A_203 = arith.divf %exp3A_198, %div3A_202 : vector<215x215xf32>
    %dot_general3A_204 = arith.constant dense<0.000000e+00> : vector<215x20xf32>
    %dot_general3A_205 = tpu.matmul %div3A_203, %dot_general3A_181, %dot_general3A_204 {dimension_numbers = #tpu.dot_dimension_numbers<[1], [0], [0], [1], [0, 0, 1, 1], [], []>, transpose_lhs_hint = false} : vector<215x215xf32>, vector<215x20xf32>, vector<215x20xf32> -> vector<215x20xf32>
    %get3A_206 = arith.constant 3 : index
    %get3A_207 = arith.constant 0 : index
    %get3A_208 = arith.constant 0 : index
    %get3A_209 = vector.load %arg6[%get3A_206, %get3A_207, %get3A_208] : memref<8x20x160xf32, #tpu.memory_space<vmem>>, vector<1x20x160xf32>
    %get3A_210 = vector.shape_cast %get3A_209 : vector<1x20x160xf32> to vector<20x160xf32>
    %dot_general3A_211 = arith.constant dense<0.000000e+00> : vector<215x160xf32>
    %dot_general3A_212 = tpu.matmul %dot_general3A_205, %get3A_210, %dot_general3A_211 {dimension_numbers = #tpu.dot_dimension_numbers<[1], [0], [0], [1], [0, 0, 1, 1], [], []>, transpose_lhs_hint = false} : vector<215x20xf32>, vector<20x160xf32>, vector<215x160xf32> -> vector<215x160xf32>
    %add3A_213 = arith.addf %add3A_160, %dot_general3A_212 : vector<215x160xf32>
    %get3A_214 = arith.constant 4 : index
    %get3A_215 = arith.constant 0 : index
    %get3A_216 = arith.constant 0 : index
    %get3A_217 = vector.load %arg3[%get3A_214, %get3A_215, %get3A_216] : memref<8x160x20xf32, #tpu.memory_space<vmem>>, vector<1x160x20xf32>
    %get3A_218 = vector.shape_cast %get3A_217 : vector<1x160x20xf32> to vector<160x20xf32>
    %dot_general3A_219 = arith.constant dense<0.000000e+00> : vector<215x20xf32>
    %dot_general3A_220 = tpu.matmul %get3A_3, %get3A_218, %dot_general3A_219 {dimension_numbers = #tpu.dot_dimension_numbers<[1], [0], [0], [1], [0, 0, 1, 1], [], []>, transpose_lhs_hint = false} : vector<215x160xf32>, vector<160x20xf32>, vector<215x20xf32> -> vector<215x20xf32>
    %get3A_221 = arith.constant 4 : index
    %get3A_222 = arith.constant 0 : index
    %get3A_223 = arith.constant 0 : index
    %get3A_224 = vector.load %arg4[%get3A_221, %get3A_222, %get3A_223] : memref<8x160x20xf32, #tpu.memory_space<vmem>>, vector<1x160x20xf32>
    %get3A_225 = vector.shape_cast %get3A_224 : vector<1x160x20xf32> to vector<160x20xf32>
    %dot_general3A_226 = arith.constant dense<0.000000e+00> : vector<215x20xf32>
    %dot_general3A_227 = tpu.matmul %get3A_3, %get3A_225, %dot_general3A_226 {dimension_numbers = #tpu.dot_dimension_numbers<[1], [0], [0], [1], [0, 0, 1, 1], [], []>, transpose_lhs_hint = false} : vector<215x160xf32>, vector<160x20xf32>, vector<215x20xf32> -> vector<215x20xf32>
    %get3A_228 = arith.constant 4 : index
    %get3A_229 = arith.constant 0 : index
    %get3A_230 = arith.constant 0 : index
    %get3A_231 = vector.load %arg5[%get3A_228, %get3A_229, %get3A_230] : memref<8x160x20xf32, #tpu.memory_space<vmem>>, vector<1x160x20xf32>
    %get3A_232 = vector.shape_cast %get3A_231 : vector<1x160x20xf32> to vector<160x20xf32>
    %dot_general3A_233 = arith.constant dense<0.000000e+00> : vector<215x20xf32>
    %dot_general3A_234 = tpu.matmul %get3A_3, %get3A_232, %dot_general3A_233 {dimension_numbers = #tpu.dot_dimension_numbers<[1], [0], [0], [1], [0, 0, 1, 1], [], []>, transpose_lhs_hint = false} : vector<215x160xf32>, vector<160x20xf32>, vector<215x20xf32> -> vector<215x20xf32>
    %dot_general3A_235 = arith.constant dense<0.000000e+00> : vector<215x215xf32>
    %dot_general3A_236 = tpu.matmul %dot_general3A_220, %dot_general3A_227, %dot_general3A_235 {dimension_numbers = #tpu.dot_dimension_numbers<[1], [1], [0], [0], [0, 0, 1, 0], [], []>, transpose_lhs_hint = false} : vector<215x20xf32>, vector<215x20xf32>, vector<215x215xf32> -> vector<215x215xf32>
    %sqrt3A_237 = arith.constant 2.000000e+01 : f32
    %sqrt3A_238 = math.sqrt %sqrt3A_237 : f32
    %div3A_239 = vector.broadcast %sqrt3A_238 : f32 to vector<215x215xf32>
    %div3A_240 = arith.divf %dot_general3A_236, %div3A_239 : vector<215x215xf32>
    %jit3A_241 = arith.constant -1.000000e+09 : f32
    %broadcast_in_dim3A_242 = vector.shape_cast %gt3A_10 : vector<1x215xi1> to vector<1x215xi1>
    %broadcast_in_dim3A_243 = vector.broadcast %broadcast_in_dim3A_242 : vector<1x215xi1> to vector<215x215xi1>
    %broadcast_in_dim3A_244 = vector.broadcast %jit3A_241 : f32 to vector<215x215xf32>
    %select_n3A_245 = arith.select %broadcast_in_dim3A_243, %broadcast_in_dim3A_244, %div3A_240 : vector<215x215xi1>, vector<215x215xf32>
    %reduce_max3A_246 = arith.constant dense<0xFF800000> : vector<215xf32>
    %reduce_max3A_247 = vector.multi_reduction <maximumf>, %select_n3A_245, %reduce_max3A_246 [1] : vector<215x215xf32> to vector<215xf32>
    %broadcast_in_dim3A_248 = vector.shape_cast %reduce_max3A_247 : vector<215xf32> to vector<215x1xf32>
    %sub3A_249 = vector.broadcast %broadcast_in_dim3A_248 : vector<215x1xf32> to vector<215x215xf32>
    %sub3A_250 = arith.subf %select_n3A_245, %sub3A_249 : vector<215x215xf32>
    %exp3A_251 = math.exp %sub3A_250 : vector<215x215xf32>
    %reduce_sum3A_252 = arith.constant dense<0.000000e+00> : vector<215xf32>
    %reduce_sum3A_253 = vector.multi_reduction <add>, %exp3A_251, %reduce_sum3A_252 [1] : vector<215x215xf32> to vector<215xf32>
    %broadcast_in_dim3A_254 = vector.shape_cast %reduce_sum3A_253 : vector<215xf32> to vector<215x1xf32>
    %div3A_255 = vector.broadcast %broadcast_in_dim3A_254 : vector<215x1xf32> to vector<215x215xf32>
    %div3A_256 = arith.divf %exp3A_251, %div3A_255 : vector<215x215xf32>
    %dot_general3A_257 = arith.constant dense<0.000000e+00> : vector<215x20xf32>
    %dot_general3A_258 = tpu.matmul %div3A_256, %dot_general3A_234, %dot_general3A_257 {dimension_numbers = #tpu.dot_dimension_numbers<[1], [0], [0], [1], [0, 0, 1, 1], [], []>, transpose_lhs_hint = false} : vector<215x215xf32>, vector<215x20xf32>, vector<215x20xf32> -> vector<215x20xf32>
    %get3A_259 = arith.constant 4 : index
    %get3A_260 = arith.constant 0 : index
    %get3A_261 = arith.constant 0 : index
    %get3A_262 = vector.load %arg6[%get3A_259, %get3A_260, %get3A_261] : memref<8x20x160xf32, #tpu.memory_space<vmem>>, vector<1x20x160xf32>
    %get3A_263 = vector.shape_cast %get3A_262 : vector<1x20x160xf32> to vector<20x160xf32>
    %dot_general3A_264 = arith.constant dense<0.000000e+00> : vector<215x160xf32>
    %dot_general3A_265 = tpu.matmul %dot_general3A_258, %get3A_263, %dot_general3A_264 {dimension_numbers = #tpu.dot_dimension_numbers<[1], [0], [0], [1], [0, 0, 1, 1], [], []>, transpose_lhs_hint = false} : vector<215x20xf32>, vector<20x160xf32>, vector<215x160xf32> -> vector<215x160xf32>
    %add3A_266 = arith.addf %add3A_213, %dot_general3A_265 : vector<215x160xf32>
    %get3A_267 = arith.constant 5 : index
    %get3A_268 = arith.constant 0 : index
    %get3A_269 = arith.constant 0 : index
    %get3A_270 = vector.load %arg3[%get3A_267, %get3A_268, %get3A_269] : memref<8x160x20xf32, #tpu.memory_space<vmem>>, vector<1x160x20xf32>
    %get3A_271 = vector.shape_cast %get3A_270 : vector<1x160x20xf32> to vector<160x20xf32>
    %dot_general3A_272 = arith.constant dense<0.000000e+00> : vector<215x20xf32>
    %dot_general3A_273 = tpu.matmul %get3A_3, %get3A_271, %dot_general3A_272 {dimension_numbers = #tpu.dot_dimension_numbers<[1], [0], [0], [1], [0, 0, 1, 1], [], []>, transpose_lhs_hint = false} : vector<215x160xf32>, vector<160x20xf32>, vector<215x20xf32> -> vector<215x20xf32>
    %get3A_274 = arith.constant 5 : index
    %get3A_275 = arith.constant 0 : index
    %get3A_276 = arith.constant 0 : index
    %get3A_277 = vector.load %arg4[%get3A_274, %get3A_275, %get3A_276] : memref<8x160x20xf32, #tpu.memory_space<vmem>>, vector<1x160x20xf32>
    %get3A_278 = vector.shape_cast %get3A_277 : vector<1x160x20xf32> to vector<160x20xf32>
    %dot_general3A_279 = arith.constant dense<0.000000e+00> : vector<215x20xf32>
    %dot_general3A_280 = tpu.matmul %get3A_3, %get3A_278, %dot_general3A_279 {dimension_numbers = #tpu.dot_dimension_numbers<[1], [0], [0], [1], [0, 0, 1, 1], [], []>, transpose_lhs_hint = false} : vector<215x160xf32>, vector<160x20xf32>, vector<215x20xf32> -> vector<215x20xf32>
    %get3A_281 = arith.constant 5 : index
    %get3A_282 = arith.constant 0 : index
    %get3A_283 = arith.constant 0 : index
    %get3A_284 = vector.load %arg5[%get3A_281, %get3A_282, %get3A_283] : memref<8x160x20xf32, #tpu.memory_space<vmem>>, vector<1x160x20xf32>
    %get3A_285 = vector.shape_cast %get3A_284 : vector<1x160x20xf32> to vector<160x20xf32>
    %dot_general3A_286 = arith.constant dense<0.000000e+00> : vector<215x20xf32>
    %dot_general3A_287 = tpu.matmul %get3A_3, %get3A_285, %dot_general3A_286 {dimension_numbers = #tpu.dot_dimension_numbers<[1], [0], [0], [1], [0, 0, 1, 1], [], []>, transpose_lhs_hint = false} : vector<215x160xf32>, vector<160x20xf32>, vector<215x20xf32> -> vector<215x20xf32>
    %dot_general3A_288 = arith.constant dense<0.000000e+00> : vector<215x215xf32>
    %dot_general3A_289 = tpu.matmul %dot_general3A_273, %dot_general3A_280, %dot_general3A_288 {dimension_numbers = #tpu.dot_dimension_numbers<[1], [1], [0], [0], [0, 0, 1, 0], [], []>, transpose_lhs_hint = false} : vector<215x20xf32>, vector<215x20xf32>, vector<215x215xf32> -> vector<215x215xf32>
    %sqrt3A_290 = arith.constant 2.000000e+01 : f32
    %sqrt3A_291 = math.sqrt %sqrt3A_290 : f32
    %div3A_292 = vector.broadcast %sqrt3A_291 : f32 to vector<215x215xf32>
    %div3A_293 = arith.divf %dot_general3A_289, %div3A_292 : vector<215x215xf32>
    %jit3A_294 = arith.constant -1.000000e+09 : f32
    %broadcast_in_dim3A_295 = vector.shape_cast %gt3A_10 : vector<1x215xi1> to vector<1x215xi1>
    %broadcast_in_dim3A_296 = vector.broadcast %broadcast_in_dim3A_295 : vector<1x215xi1> to vector<215x215xi1>
    %broadcast_in_dim3A_297 = vector.broadcast %jit3A_294 : f32 to vector<215x215xf32>
    %select_n3A_298 = arith.select %broadcast_in_dim3A_296, %broadcast_in_dim3A_297, %div3A_293 : vector<215x215xi1>, vector<215x215xf32>
    %reduce_max3A_299 = arith.constant dense<0xFF800000> : vector<215xf32>
    %reduce_max3A_300 = vector.multi_reduction <maximumf>, %select_n3A_298, %reduce_max3A_299 [1] : vector<215x215xf32> to vector<215xf32>
    %broadcast_in_dim3A_301 = vector.shape_cast %reduce_max3A_300 : vector<215xf32> to vector<215x1xf32>
    %sub3A_302 = vector.broadcast %broadcast_in_dim3A_301 : vector<215x1xf32> to vector<215x215xf32>
    %sub3A_303 = arith.subf %select_n3A_298, %sub3A_302 : vector<215x215xf32>
    %exp3A_304 = math.exp %sub3A_303 : vector<215x215xf32>
    %reduce_sum3A_305 = arith.constant dense<0.000000e+00> : vector<215xf32>
    %reduce_sum3A_306 = vector.multi_reduction <add>, %exp3A_304, %reduce_sum3A_305 [1] : vector<215x215xf32> to vector<215xf32>
    %broadcast_in_dim3A_307 = vector.shape_cast %reduce_sum3A_306 : vector<215xf32> to vector<215x1xf32>
    %div3A_308 = vector.broadcast %broadcast_in_dim3A_307 : vector<215x1xf32> to vector<215x215xf32>
    %div3A_309 = arith.divf %exp3A_304, %div3A_308 : vector<215x215xf32>
    %dot_general3A_310 = arith.constant dense<0.000000e+00> : vector<215x20xf32>
    %dot_general3A_311 = tpu.matmul %div3A_309, %dot_general3A_287, %dot_general3A_310 {dimension_numbers = #tpu.dot_dimension_numbers<[1], [0], [0], [1], [0, 0, 1, 1], [], []>, transpose_lhs_hint = false} : vector<215x215xf32>, vector<215x20xf32>, vector<215x20xf32> -> vector<215x20xf32>
    %get3A_312 = arith.constant 5 : index
    %get3A_313 = arith.constant 0 : index
    %get3A_314 = arith.constant 0 : index
    %get3A_315 = vector.load %arg6[%get3A_312, %get3A_313, %get3A_314] : memref<8x20x160xf32, #tpu.memory_space<vmem>>, vector<1x20x160xf32>
    %get3A_316 = vector.shape_cast %get3A_315 : vector<1x20x160xf32> to vector<20x160xf32>
    %dot_general3A_317 = arith.constant dense<0.000000e+00> : vector<215x160xf32>
    %dot_general3A_318 = tpu.matmul %dot_general3A_311, %get3A_316, %dot_general3A_317 {dimension_numbers = #tpu.dot_dimension_numbers<[1], [0], [0], [1], [0, 0, 1, 1], [], []>, transpose_lhs_hint = false} : vector<215x20xf32>, vector<20x160xf32>, vector<215x160xf32> -> vector<215x160xf32>
    %add3A_319 = arith.addf %add3A_266, %dot_general3A_318 : vector<215x160xf32>
    %get3A_320 = arith.constant 6 : index
    %get3A_321 = arith.constant 0 : index
    %get3A_322 = arith.constant 0 : index
    %get3A_323 = vector.load %arg3[%get3A_320, %get3A_321, %get3A_322] : memref<8x160x20xf32, #tpu.memory_space<vmem>>, vector<1x160x20xf32>
    %get3A_324 = vector.shape_cast %get3A_323 : vector<1x160x20xf32> to vector<160x20xf32>
    %dot_general3A_325 = arith.constant dense<0.000000e+00> : vector<215x20xf32>
    %dot_general3A_326 = tpu.matmul %get3A_3, %get3A_324, %dot_general3A_325 {dimension_numbers = #tpu.dot_dimension_numbers<[1], [0], [0], [1], [0, 0, 1, 1], [], []>, transpose_lhs_hint = false} : vector<215x160xf32>, vector<160x20xf32>, vector<215x20xf32> -> vector<215x20xf32>
    %get3A_327 = arith.constant 6 : index
    %get3A_328 = arith.constant 0 : index
    %get3A_329 = arith.constant 0 : index
    %get3A_330 = vector.load %arg4[%get3A_327, %get3A_328, %get3A_329] : memref<8x160x20xf32, #tpu.memory_space<vmem>>, vector<1x160x20xf32>
    %get3A_331 = vector.shape_cast %get3A_330 : vector<1x160x20xf32> to vector<160x20xf32>
    %dot_general3A_332 = arith.constant dense<0.000000e+00> : vector<215x20xf32>
    %dot_general3A_333 = tpu.matmul %get3A_3, %get3A_331, %dot_general3A_332 {dimension_numbers = #tpu.dot_dimension_numbers<[1], [0], [0], [1], [0, 0, 1, 1], [], []>, transpose_lhs_hint = false} : vector<215x160xf32>, vector<160x20xf32>, vector<215x20xf32> -> vector<215x20xf32>
    %get3A_334 = arith.constant 6 : index
    %get3A_335 = arith.constant 0 : index
    %get3A_336 = arith.constant 0 : index
    %get3A_337 = vector.load %arg5[%get3A_334, %get3A_335, %get3A_336] : memref<8x160x20xf32, #tpu.memory_space<vmem>>, vector<1x160x20xf32>
    %get3A_338 = vector.shape_cast %get3A_337 : vector<1x160x20xf32> to vector<160x20xf32>
    %dot_general3A_339 = arith.constant dense<0.000000e+00> : vector<215x20xf32>
    %dot_general3A_340 = tpu.matmul %get3A_3, %get3A_338, %dot_general3A_339 {dimension_numbers = #tpu.dot_dimension_numbers<[1], [0], [0], [1], [0, 0, 1, 1], [], []>, transpose_lhs_hint = false} : vector<215x160xf32>, vector<160x20xf32>, vector<215x20xf32> -> vector<215x20xf32>
    %dot_general3A_341 = arith.constant dense<0.000000e+00> : vector<215x215xf32>
    %dot_general3A_342 = tpu.matmul %dot_general3A_326, %dot_general3A_333, %dot_general3A_341 {dimension_numbers = #tpu.dot_dimension_numbers<[1], [1], [0], [0], [0, 0, 1, 0], [], []>, transpose_lhs_hint = false} : vector<215x20xf32>, vector<215x20xf32>, vector<215x215xf32> -> vector<215x215xf32>
    %sqrt3A_343 = arith.constant 2.000000e+01 : f32
    %sqrt3A_344 = math.sqrt %sqrt3A_343 : f32
    %div3A_345 = vector.broadcast %sqrt3A_344 : f32 to vector<215x215xf32>
    %div3A_346 = arith.divf %dot_general3A_342, %div3A_345 : vector<215x215xf32>
    %jit3A_347 = arith.constant -1.000000e+09 : f32
    %broadcast_in_dim3A_348 = vector.shape_cast %gt3A_10 : vector<1x215xi1> to vector<1x215xi1>
    %broadcast_in_dim3A_349 = vector.broadcast %broadcast_in_dim3A_348 : vector<1x215xi1> to vector<215x215xi1>
    %broadcast_in_dim3A_350 = vector.broadcast %jit3A_347 : f32 to vector<215x215xf32>
    %select_n3A_351 = arith.select %broadcast_in_dim3A_349, %broadcast_in_dim3A_350, %div3A_346 : vector<215x215xi1>, vector<215x215xf32>
    %reduce_max3A_352 = arith.constant dense<0xFF800000> : vector<215xf32>
    %reduce_max3A_353 = vector.multi_reduction <maximumf>, %select_n3A_351, %reduce_max3A_352 [1] : vector<215x215xf32> to vector<215xf32>
    %broadcast_in_dim3A_354 = vector.shape_cast %reduce_max3A_353 : vector<215xf32> to vector<215x1xf32>
    %sub3A_355 = vector.broadcast %broadcast_in_dim3A_354 : vector<215x1xf32> to vector<215x215xf32>
    %sub3A_356 = arith.subf %select_n3A_351, %sub3A_355 : vector<215x215xf32>
    %exp3A_357 = math.exp %sub3A_356 : vector<215x215xf32>
    %reduce_sum3A_358 = arith.constant dense<0.000000e+00> : vector<215xf32>
    %reduce_sum3A_359 = vector.multi_reduction <add>, %exp3A_357, %reduce_sum3A_358 [1] : vector<215x215xf32> to vector<215xf32>
    %broadcast_in_dim3A_360 = vector.shape_cast %reduce_sum3A_359 : vector<215xf32> to vector<215x1xf32>
    %div3A_361 = vector.broadcast %broadcast_in_dim3A_360 : vector<215x1xf32> to vector<215x215xf32>
    %div3A_362 = arith.divf %exp3A_357, %div3A_361 : vector<215x215xf32>
    %dot_general3A_363 = arith.constant dense<0.000000e+00> : vector<215x20xf32>
    %dot_general3A_364 = tpu.matmul %div3A_362, %dot_general3A_340, %dot_general3A_363 {dimension_numbers = #tpu.dot_dimension_numbers<[1], [0], [0], [1], [0, 0, 1, 1], [], []>, transpose_lhs_hint = false} : vector<215x215xf32>, vector<215x20xf32>, vector<215x20xf32> -> vector<215x20xf32>
    %get3A_365 = arith.constant 6 : index
    %get3A_366 = arith.constant 0 : index
    %get3A_367 = arith.constant 0 : index
    %get3A_368 = vector.load %arg6[%get3A_365, %get3A_366, %get3A_367] : memref<8x20x160xf32, #tpu.memory_space<vmem>>, vector<1x20x160xf32>
    %get3A_369 = vector.shape_cast %get3A_368 : vector<1x20x160xf32> to vector<20x160xf32>
    %dot_general3A_370 = arith.constant dense<0.000000e+00> : vector<215x160xf32>
    %dot_general3A_371 = tpu.matmul %dot_general3A_364, %get3A_369, %dot_general3A_370 {dimension_numbers = #tpu.dot_dimension_numbers<[1], [0], [0], [1], [0, 0, 1, 1], [], []>, transpose_lhs_hint = false} : vector<215x20xf32>, vector<20x160xf32>, vector<215x160xf32> -> vector<215x160xf32>
    %add3A_372 = arith.addf %add3A_319, %dot_general3A_371 : vector<215x160xf32>
    %get3A_373 = arith.constant 7 : index
    %get3A_374 = arith.constant 0 : index
    %get3A_375 = arith.constant 0 : index
    %get3A_376 = vector.load %arg3[%get3A_373, %get3A_374, %get3A_375] : memref<8x160x20xf32, #tpu.memory_space<vmem>>, vector<1x160x20xf32>
    %get3A_377 = vector.shape_cast %get3A_376 : vector<1x160x20xf32> to vector<160x20xf32>
    %dot_general3A_378 = arith.constant dense<0.000000e+00> : vector<215x20xf32>
    %dot_general3A_379 = tpu.matmul %get3A_3, %get3A_377, %dot_general3A_378 {dimension_numbers = #tpu.dot_dimension_numbers<[1], [0], [0], [1], [0, 0, 1, 1], [], []>, transpose_lhs_hint = false} : vector<215x160xf32>, vector<160x20xf32>, vector<215x20xf32> -> vector<215x20xf32>
    %get3A_380 = arith.constant 7 : index
    %get3A_381 = arith.constant 0 : index
    %get3A_382 = arith.constant 0 : index
    %get3A_383 = vector.load %arg4[%get3A_380, %get3A_381, %get3A_382] : memref<8x160x20xf32, #tpu.memory_space<vmem>>, vector<1x160x20xf32>
    %get3A_384 = vector.shape_cast %get3A_383 : vector<1x160x20xf32> to vector<160x20xf32>
    %dot_general3A_385 = arith.constant dense<0.000000e+00> : vector<215x20xf32>
    %dot_general3A_386 = tpu.matmul %get3A_3, %get3A_384, %dot_general3A_385 {dimension_numbers = #tpu.dot_dimension_numbers<[1], [0], [0], [1], [0, 0, 1, 1], [], []>, transpose_lhs_hint = false} : vector<215x160xf32>, vector<160x20xf32>, vector<215x20xf32> -> vector<215x20xf32>
    %get3A_387 = arith.constant 7 : index
    %get3A_388 = arith.constant 0 : index
    %get3A_389 = arith.constant 0 : index
    %get3A_390 = vector.load %arg5[%get3A_387, %get3A_388, %get3A_389] : memref<8x160x20xf32, #tpu.memory_space<vmem>>, vector<1x160x20xf32>
    %get3A_391 = vector.shape_cast %get3A_390 : vector<1x160x20xf32> to vector<160x20xf32>
    %dot_general3A_392 = arith.constant dense<0.000000e+00> : vector<215x20xf32>
    %dot_general3A_393 = tpu.matmul %get3A_3, %get3A_391, %dot_general3A_392 {dimension_numbers = #tpu.dot_dimension_numbers<[1], [0], [0], [1], [0, 0, 1, 1], [], []>, transpose_lhs_hint = false} : vector<215x160xf32>, vector<160x20xf32>, vector<215x20xf32> -> vector<215x20xf32>
    %dot_general3A_394 = arith.constant dense<0.000000e+00> : vector<215x215xf32>
    %dot_general3A_395 = tpu.matmul %dot_general3A_379, %dot_general3A_386, %dot_general3A_394 {dimension_numbers = #tpu.dot_dimension_numbers<[1], [1], [0], [0], [0, 0, 1, 0], [], []>, transpose_lhs_hint = false} : vector<215x20xf32>, vector<215x20xf32>, vector<215x215xf32> -> vector<215x215xf32>
    %sqrt3A_396 = arith.constant 2.000000e+01 : f32
    %sqrt3A_397 = math.sqrt %sqrt3A_396 : f32
    %div3A_398 = vector.broadcast %sqrt3A_397 : f32 to vector<215x215xf32>
    %div3A_399 = arith.divf %dot_general3A_395, %div3A_398 : vector<215x215xf32>
    %jit3A_400 = arith.constant -1.000000e+09 : f32
    %broadcast_in_dim3A_401 = vector.shape_cast %gt3A_10 : vector<1x215xi1> to vector<1x215xi1>
    %broadcast_in_dim3A_402 = vector.broadcast %broadcast_in_dim3A_401 : vector<1x215xi1> to vector<215x215xi1>
    %broadcast_in_dim3A_403 = vector.broadcast %jit3A_400 : f32 to vector<215x215xf32>
    %select_n3A_404 = arith.select %broadcast_in_dim3A_402, %broadcast_in_dim3A_403, %div3A_399 : vector<215x215xi1>, vector<215x215xf32>
    %reduce_max3A_405 = arith.constant dense<0xFF800000> : vector<215xf32>
    %reduce_max3A_406 = vector.multi_reduction <maximumf>, %select_n3A_404, %reduce_max3A_405 [1] : vector<215x215xf32> to vector<215xf32>
    %broadcast_in_dim3A_407 = vector.shape_cast %reduce_max3A_406 : vector<215xf32> to vector<215x1xf32>
    %sub3A_408 = vector.broadcast %broadcast_in_dim3A_407 : vector<215x1xf32> to vector<215x215xf32>
    %sub3A_409 = arith.subf %select_n3A_404, %sub3A_408 : vector<215x215xf32>
    %exp3A_410 = math.exp %sub3A_409 : vector<215x215xf32>
    %reduce_sum3A_411 = arith.constant dense<0.000000e+00> : vector<215xf32>
    %reduce_sum3A_412 = vector.multi_reduction <add>, %exp3A_410, %reduce_sum3A_411 [1] : vector<215x215xf32> to vector<215xf32>
    %broadcast_in_dim3A_413 = vector.shape_cast %reduce_sum3A_412 : vector<215xf32> to vector<215x1xf32>
    %div3A_414 = vector.broadcast %broadcast_in_dim3A_413 : vector<215x1xf32> to vector<215x215xf32>
    %div3A_415 = arith.divf %exp3A_410, %div3A_414 : vector<215x215xf32>
    %dot_general3A_416 = arith.constant dense<0.000000e+00> : vector<215x20xf32>
    %dot_general3A_417 = tpu.matmul %div3A_415, %dot_general3A_393, %dot_general3A_416 {dimension_numbers = #tpu.dot_dimension_numbers<[1], [0], [0], [1], [0, 0, 1, 1], [], []>, transpose_lhs_hint = false} : vector<215x215xf32>, vector<215x20xf32>, vector<215x20xf32> -> vector<215x20xf32>
    %get3A_418 = arith.constant 7 : index
    %get3A_419 = arith.constant 0 : index
    %get3A_420 = arith.constant 0 : index
    %get3A_421 = vector.load %arg6[%get3A_418, %get3A_419, %get3A_420] : memref<8x20x160xf32, #tpu.memory_space<vmem>>, vector<1x20x160xf32>
    %get3A_422 = vector.shape_cast %get3A_421 : vector<1x20x160xf32> to vector<20x160xf32>
    %dot_general3A_423 = arith.constant dense<0.000000e+00> : vector<215x160xf32>
    %dot_general3A_424 = tpu.matmul %dot_general3A_417, %get3A_422, %dot_general3A_423 {dimension_numbers = #tpu.dot_dimension_numbers<[1], [0], [0], [1], [0, 0, 1, 1], [], []>, transpose_lhs_hint = false} : vector<215x20xf32>, vector<20x160xf32>, vector<215x160xf32> -> vector<215x160xf32>
    %add3A_425 = arith.addf %add3A_372, %dot_general3A_424 : vector<215x160xf32>
    %add3A_426 = arith.addf %get3A_3, %add3A_425 : vector<215x160xf32>
    %reduce_sum3A_427 = arith.constant dense<0.000000e+00> : vector<215xf32>
    %reduce_sum3A_428 = vector.multi_reduction <add>, %add3A_426, %reduce_sum3A_427 [1] : vector<215x160xf32> to vector<215xf32>
    %broadcast_in_dim3A_429 = vector.shape_cast %reduce_sum3A_428 : vector<215xf32> to vector<215x1xf32>
    %div3A_430 = arith.constant 1.600000e+02 : f32
    %div3A_431 = vector.broadcast %div3A_430 : f32 to vector<215x1xf32>
    %div3A_432 = arith.divf %broadcast_in_dim3A_429, %div3A_431 : vector<215x1xf32>
    %sub3A_433 = vector.broadcast %div3A_432 : vector<215x1xf32> to vector<215x160xf32>
    %sub3A_434 = arith.subf %add3A_426, %sub3A_433 : vector<215x160xf32>
    %sub3A_435 = vector.broadcast %div3A_432 : vector<215x1xf32> to vector<215x160xf32>
    %sub3A_436 = arith.subf %add3A_426, %sub3A_435 : vector<215x160xf32>
    %mul3A = arith.mulf %sub3A_434, %sub3A_436 : vector<215x160xf32>
    %reduce_sum3A_437 = arith.constant dense<0.000000e+00> : vector<215xf32>
    %reduce_sum3A_438 = vector.multi_reduction <add>, %mul3A, %reduce_sum3A_437 [1] : vector<215x160xf32> to vector<215xf32>
    %broadcast_in_dim3A_439 = vector.shape_cast %reduce_sum3A_438 : vector<215xf32> to vector<215x1xf32>
    %div3A_440 = arith.constant 1.600000e+02 : f32
    %div3A_441 = vector.broadcast %div3A_440 : f32 to vector<215x1xf32>
    %div3A_442 = arith.divf %broadcast_in_dim3A_439, %div3A_441 : vector<215x1xf32>
    %sub3A_443 = vector.broadcast %div3A_432 : vector<215x1xf32> to vector<215x160xf32>
    %sub3A_444 = arith.subf %add3A_426, %sub3A_443 : vector<215x160xf32>
    %add3A_445 = arith.constant 9.99999974E-6 : f32
    %add3A_446 = vector.broadcast %add3A_445 : f32 to vector<215x1xf32>
    %add3A_447 = arith.addf %div3A_442, %add3A_446 : vector<215x1xf32>
    %sqrt3A_448 = math.sqrt %add3A_447 : vector<215x1xf32>
    %div3A_449 = vector.broadcast %sqrt3A_448 : vector<215x1xf32> to vector<215x160xf32>
    %div3A_450 = arith.divf %sub3A_444, %div3A_449 : vector<215x160xf32>
    %get3A_451 = arith.constant 0 : index
    %get3A_452 = arith.constant 0 : index
    %get3A_453 = vector.load %arg7[%get3A_451, %get3A_452] : memref<160x512xf32, #tpu.memory_space<vmem>>, vector<160x512xf32>
    %dot_general3A_454 = arith.constant dense<0.000000e+00> : vector<215x512xf32>
    %dot_general3A_455 = tpu.matmul %div3A_450, %get3A_453, %dot_general3A_454 {dimension_numbers = #tpu.dot_dimension_numbers<[1], [0], [0], [1], [0, 0, 1, 1], [], []>, transpose_lhs_hint = false} : vector<215x160xf32>, vector<160x512xf32>, vector<215x512xf32> -> vector<215x512xf32>
    %max3A = arith.constant 0.000000e+00 : f32
    %max3A_456 = vector.broadcast %max3A : f32 to vector<215x512xf32>
    %max3A_457 = arith.maximumf %dot_general3A_455, %max3A_456 : vector<215x512xf32>
    %get3A_458 = arith.constant 0 : index
    %get3A_459 = arith.constant 0 : index
    %get3A_460 = vector.load %arg8[%get3A_458, %get3A_459] : memref<512x160xf32, #tpu.memory_space<vmem>>, vector<512x160xf32>
    %dot_general3A_461 = arith.constant dense<0.000000e+00> : vector<215x160xf32>
    %dot_general3A_462 = tpu.matmul %max3A_457, %get3A_460, %dot_general3A_461 {dimension_numbers = #tpu.dot_dimension_numbers<[1], [0], [0], [1], [0, 0, 1, 1], [], []>, transpose_lhs_hint = false} : vector<215x512xf32>, vector<512x160xf32>, vector<215x160xf32> -> vector<215x160xf32>
    %add3A_463 = arith.addf %div3A_450, %dot_general3A_462 : vector<215x160xf32>
    %reduce_sum3A_464 = arith.constant dense<0.000000e+00> : vector<215xf32>
    %reduce_sum3A_465 = vector.multi_reduction <add>, %add3A_463, %reduce_sum3A_464 [1] : vector<215x160xf32> to vector<215xf32>
    %broadcast_in_dim3A_466 = vector.shape_cast %reduce_sum3A_465 : vector<215xf32> to vector<215x1xf32>
    %div3A_467 = arith.constant 1.600000e+02 : f32
    %div3A_468 = vector.broadcast %div3A_467 : f32 to vector<215x1xf32>
    %div3A_469 = arith.divf %broadcast_in_dim3A_466, %div3A_468 : vector<215x1xf32>
    %sub3A_470 = vector.broadcast %div3A_469 : vector<215x1xf32> to vector<215x160xf32>
    %sub3A_471 = arith.subf %add3A_463, %sub3A_470 : vector<215x160xf32>
    %sub3A_472 = vector.broadcast %div3A_469 : vector<215x1xf32> to vector<215x160xf32>
    %sub3A_473 = arith.subf %add3A_463, %sub3A_472 : vector<215x160xf32>
    %mul3A_474 = arith.mulf %sub3A_471, %sub3A_473 : vector<215x160xf32>
    %reduce_sum3A_475 = arith.constant dense<0.000000e+00> : vector<215xf32>
    %reduce_sum3A_476 = vector.multi_reduction <add>, %mul3A_474, %reduce_sum3A_475 [1] : vector<215x160xf32> to vector<215xf32>
    %broadcast_in_dim3A_477 = vector.shape_cast %reduce_sum3A_476 : vector<215xf32> to vector<215x1xf32>
    %div3A_478 = arith.constant 1.600000e+02 : f32
    %div3A_479 = vector.broadcast %div3A_478 : f32 to vector<215x1xf32>
    %div3A_480 = arith.divf %broadcast_in_dim3A_477, %div3A_479 : vector<215x1xf32>
    %sub3A_481 = vector.broadcast %div3A_469 : vector<215x1xf32> to vector<215x160xf32>
    %sub3A_482 = arith.subf %add3A_463, %sub3A_481 : vector<215x160xf32>
    %add3A_483 = arith.constant 9.99999974E-6 : f32
    %add3A_484 = vector.broadcast %add3A_483 : f32 to vector<215x1xf32>
    %add3A_485 = arith.addf %div3A_480, %add3A_484 : vector<215x1xf32>
    %sqrt3A_486 = math.sqrt %add3A_485 : vector<215x1xf32>
    %div3A_487 = vector.broadcast %sqrt3A_486 : vector<215x1xf32> to vector<215x160xf32>
    %div3A_488 = arith.divf %sub3A_482, %div3A_487 : vector<215x160xf32>
    %swap3A = arith.constant 0 : index
    %swap3A_489 = arith.constant 0 : index
    %swap3A_490 = arith.constant 0 : index
    %swap3A_491 = vector.load %arg9[%swap3A, %swap3A_489, %swap3A_490] : memref<1x215x160xf32, #tpu.memory_space<vmem>>, vector<1x215x160xf32>
    %swap3A_492 = vector.shape_cast %swap3A_491 : vector<1x215x160xf32> to vector<215x160xf32>
    %swap3A_493 = vector.shape_cast %div3A_488 : vector<215x160xf32> to vector<1x215x160xf32>
    tpu.vector_store %arg9[%swap3A, %swap3A_489, %swap3A_490], %swap3A_493 {strides = array<i32>} : memref<1x215x160xf32, #tpu.memory_space<vmem>>, vector<1x215x160xf32>,
    return
  }
  func.func @transform_0(%arg0: i32) -> (i32, i32, i32) {
    %c0_i32 = arith.constant 0 : i32
    %c0_i32_0 = arith.constant 0 : i32
    %c0_i32_1 = arith.constant 0 : i32
    return %arg0, %c0_i32, %c0_i32_0 : i32, i32, i32
  }
  func.func @transform_1(%arg0: i32) -> (i32, i32, i32) {
    %c0_i32 = arith.constant 0 : i32
    %c0_i32_0 = arith.constant 0 : i32
    %c0_i32_1 = arith.constant 0 : i32
    return %arg0, %c0_i32, %c0_i32_0 : i32, i32, i32
  }
  func.func @transform_2(%arg0: i32) -> (i32, i32, i32) {
    %c0_i32 = arith.constant 0 : i32
    %c0_i32_0 = arith.constant 0 : i32
    %c0_i32_1 = arith.constant 0 : i32
    %c0_i32_2 = arith.constant 0 : i32
    return %c0_i32, %c0_i32_0, %c0_i32_1 : i32, i32, i32
  }
  func.func @transform_3(%arg0: i32) -> (i32, i32, i32) {
    %c0_i32 = arith.constant 0 : i32
    %c0_i32_0 = arith.constant 0 : i32
    %c0_i32_1 = arith.constant 0 : i32
    %c0_i32_2 = arith.constant 0 : i32
    return %c0_i32, %c0_i32_0, %c0_i32_1 : i32, i32, i32
  }
  func.func @transform_4(%arg0: i32) -> (i32, i32, i32) {
    %c0_i32 = arith.constant 0 : i32
    %c0_i32_0 = arith.constant 0 : i32
    %c0_i32_1 = arith.constant 0 : i32
    %c0_i32_2 = arith.constant 0 : i32
    return %c0_i32, %c0_i32_0, %c0_i32_1 : i32, i32, i32
  }
  func.func @transform_5(%arg0: i32) -> (i32, i32, i32) {
    %c0_i32 = arith.constant 0 : i32
    %c0_i32_0 = arith.constant 0 : i32
    %c0_i32_1 = arith.constant 0 : i32
    %c0_i32_2 = arith.constant 0 : i32
    return %c0_i32, %c0_i32_0, %c0_i32_1 : i32, i32, i32
  }
  func.func @transform_6(%arg0: i32) -> (i32, i32) {
    %c0_i32 = arith.constant 0 : i32
    %c0_i32_0 = arith.constant 0 : i32
    %c0_i32_1 = arith.constant 0 : i32
    return %c0_i32, %c0_i32_0 : i32, i32
  }
  func.func @transform_7(%arg0: i32) -> (i32, i32) {
    %c0_i32 = arith.constant 0 : i32
    %c0_i32_0 = arith.constant 0 : i32
    %c0_i32_1 = arith.constant 0 : i32
    return %c0_i32, %c0_i32_0 : i32, i32
  }
  func.func @transform_8(%arg0: i32) -> (i32, i32, i32) {
    %c0_i32 = arith.constant 0 : i32
    %c0_i32_0 = arith.constant 0 : i32
    %c0_i32_1 = arith.constant 0 : i32
    return %arg0, %c0_i32, %c0_i32_0 : i32, i32, i32
  }
}

module attributes {stable_mosaic.version = 14 : i64} {
  func.func @_dist_body(%arg0: memref<128x1296xf32, #tpu.memory_space<vmem>>, %arg1: memref<1x1xf32, #tpu.memory_space<smem>>) attributes {dimension_semantics = [], scalar_prefetch = 0 : i64, scratch_operands = 0 : i64, tpu.core_type = #tpu.core_type<tc>} {
    %get3A = arith.constant 0 : index
    %get3A_0 = arith.constant 0 : index
    %get3A_1 = vector.load %arg0[%get3A, %get3A_0] : memref<128x1296xf32, #tpu.memory_space<vmem>>, vector<128x1296xf32>
    %scan3A = arith.constant 0.000000e+00 : f32
    %scan3A_2 = arith.constant 0 : i32
    %scan3A_3 = arith.constant 128 : i32
    %scan3A_4 = arith.addi %scan3A_2, %scan3A_3 : i32
    %scan3A_5 = arith.constant 1 : i32
    %scan3A_6 = scf.for %scan3A_11 = %scan3A_2 to %scan3A_4 step %scan3A_5 iter_args(%scan3A_12 = %scan3A) -> (f32)  : i32 {
      %get3A_13 = arith.index_cast %scan3A_11 : i32 to index
      %get3A_14 = arith.constant 0 : index
      %get3A_15 = vector.load %arg0[%get3A_13, %get3A_14] : memref<128x1296xf32, #tpu.memory_space<vmem>>, vector<1x1296xf32>
      %sub3A = vector.broadcast %get3A_15 : vector<1x1296xf32> to vector<128x1296xf32>
      %sub3A_16 = arith.subf %get3A_1, %sub3A : vector<128x1296xf32>
      %mul3A = arith.mulf %sub3A_16, %sub3A_16 : vector<128x1296xf32>
      %reduce_sum3A = arith.constant dense<0.000000e+00> : vector<128xf32>
      %reduce_sum3A_17 = vector.multi_reduction <add>, %mul3A, %reduce_sum3A [1] : vector<128x1296xf32> to vector<128xf32>
      %broadcast_in_dim3A = vector.shape_cast %reduce_sum3A_17 : vector<128xf32> to vector<128x1xf32>
      %add3A = arith.constant 9.99999996E-13 : f32
      %add3A_18 = vector.broadcast %add3A : f32 to vector<128x1xf32>
      %add3A_19 = arith.addf %broadcast_in_dim3A, %add3A_18 : vector<128x1xf32>
      %sqrt3A = math.sqrt %add3A_19 : vector<128x1xf32>
      %reduce_sum3A_20 = vector.shape_cast %sqrt3A : vector<128x1xf32> to vector<1x128x1xf32>
      %reduce_sum3A_21 = arith.constant dense<0.000000e+00> : vector<1xf32>
      %reduce_sum3A_22 = vector.multi_reduction <add>, %reduce_sum3A_20, %reduce_sum3A_21 [1, 2] : vector<1x128x1xf32> to vector<1xf32>
      %reduce_sum3A_23 = vector.shape_cast %reduce_sum3A_22 : vector<1xf32> to vector<1x1x1xf32>
      %reduce_sum3A_24 = vector.extract %reduce_sum3A_23[0, 0, 0] : f32 from vector<1x1x1xf32>
      %add3A_25 = arith.addf %scan3A_12, %reduce_sum3A_24 : f32
      scf.yield %add3A_25 : f32
    }
    %scan3A_7 = arith.constant 128 : i32
    %div3A = arith.constant 1.638400e+04 : f32
    %div3A_8 = arith.divf %scan3A_6, %div3A : f32
    %swap3A = arith.constant 0 : index
    %swap3A_9 = arith.constant 0 : index
    %swap3A_10 = memref.load %arg1[%swap3A, %swap3A_9] : memref<1x1xf32, #tpu.memory_space<smem>>
    memref.store %div3A_8, %arg1[%swap3A, %swap3A_9] : memref<1x1xf32, #tpu.memory_space<smem>>
    return
  }
}

</mosaic_0001>

<sc_bundles>
// kernel: sparse-core-data-format-call.1.cloned.1.call-start
scs
called_computation.1_lowered:
.L_overlay_start_0:
0x0: {  	s1 =	sld [smem:$0x3FD9]  }
0x1: {  	s2 =	sld [smem:$0x3FFE];
	_ =	sdelay $0x1  }
0x2: {  	s3 =	srdreg.scid  }
0x3: {  	s0 =	sand.u32 $0x1, s3  }
0x4: {  	s17 =	sshll.u32 s0, $0xA;
	s1 =	sadd.s32 s2, s1  }
0x5: {  	s1 =	sadd.s32 s1, s17  }
0x6: {  	[smem:$0x3FB2] =	sst s1  }
0x7: {  	_ = 	snop  }
0x8: {  	(tm) =	ssettm $0x1  }
0x9: {  	s18 =	sld [smem:$0x3FFB];
	_ =	sdelay $0x3  }
0xa: {  	_ =	strace s18  }
0xb: {  	s1 =	sld [smem:$0x3FFC];
	_ =	sdelay $0x3  }
0xc: {  	_ =	strace s1  }
0xd: {  	s1 =	sld [smem:$0x3FFD];
	_ =	sdelay $0x3  }
0xe: {  	_ =	strace s1  }
0xf: {  	_ =	strace $0x8FFFFFFF  }
0x10: {  	s19 =	sld [smem:$0x3FDB];
	_ =	sdelay $0x1  }
0x11: {  	s20 =	simm.s32 $_scs_section_size  }
0x12: {  	s4 =	simm.s32 $_size__tile_overlayer_lowered;
	s5 =	simm.s32 $_tile_overlayer_lowered  }
0x13: {  	s23 =	simm.s32 $0x1BFF;
	s22 =	sshll.u32 s5, $0x1;
	s1 =	sadd.s32 s20, s19  }
0x14: {  	s6 =	simm.s32 $0x0;
	s21 =	sshll.u32 s4, $0x1;
	s4 =	sadd.s32 s22, s1  }
0x15: {  	[timem:s6], [sflag:s23] =	dma.local [hbm:s4], s21  }
0x16: {  	_ =	swait.ge [sflag:s23], s21  }
0x17: {  	s2 =	ssub.s32 $0x0, s21;
	[sflag:s23] =	ssyncset.done $0x0  }
0x18: {  	[sflag:s23] =	ssyncadd.s32 s2;
	_ =	sdelay $0x1  }
0x19: {  	s24 =	simm.s32 $0x1B8B  }
0x1a: {  	_ =	swait.ge [sflag:s24], $0x1  }
0x1b: {  	[sflag:s24] =	ssyncset.done $0x0  }
0x1c: {  	s26 =	simm.s32 $0x1B8E;
	s25 =	sld [smem:$0x3FFE];
	[sflag:s24] =	ssyncadd.s32 $0xFFFFFFFF  }
0x1d: {  	s27 =	simm.s32 $execute0_lowered;
	[smem:$0x3FD2] =	sst s26  }
0x1e: {  	s4 =	sshll.u32 s27, $0x1;
	_ =	strace $0x80000046;
	[dreg:$0x1] =	wrdreg $0xFFFFFFFF  }
0x1f: {  	s28 =	simm.s32 $_size_execute0_lowered;
	s1 =	sadd.s32 s1, s4;
	[dreg:$0x0] =	wrdreg $0x0  }
0x20: {  	s4 =	sshll.u32 s28, $0x1;
	[dreg:$0x2] =	wrdreg s1  }
0x21: {  	[dreg:$0x3] =	wrdreg s4  }
0x22: {  	[dreg:$0x4] =	wrdreg $0xC0  }
0x23: {  	_ =	task [dreg:s6], $0x5FFFF  }
0x24: {  	[dreg:$0x1] =	wrdreg $0xFFFFFFFF  }
0x25: {  	[dreg:$0x0] =	wrdreg $0x60  }
0x26: {  	[dreg:$0x2] =	wrdreg s25  }
0x27: {  	[dreg:$0x3] =	wrdreg $0x9  }
0x28: {  	_ =	task.clear_ibuf [dreg:s6], $0x4FFFF;
	_ =	strace $0x90000046  }
0x29: {  	s29 =	simm.s32 $0x9;
	_ =	strace $0x80000048  }
0x2a: {  	_ =	swait.ge [sflag:s29], $0x1  }
0x2b: {  	[sflag:s29] =	ssyncadd.s32 $0xFFFFFFFF  }
0x2c: {  	_ =	strace $0x90000048  }
0x2d: {  	_ =	sfence  }
0x2e: {  	s30 =	sld [smem:$0x0];
	_ =	sdelay $0x2  }
0x2f: {  	s31 =	sshll.u32 s3, $0xD;
	s3 =	sshrl.u32 s3, $0x2  }
0x30: {  	s2 =	sand.u32 $0x4000, s31;
	s1 =	sadd.s32 s3, s30  }
0x31: {  	s0 =	sor.u32 s2, s0;
	s1 =	sshll.u32 s1, $0x11  }
0x32: {  	s0 =	sor.u32 s1, s0  }
0x33: {  	s0 =	sadd.s32 $0x8F2B, s0  }
0x34: {  	[sflag:s0] =	ssyncadd.remote.s32 $0x1  }
0x35: {  	_ =	sfence.sel $0xFFFF  }
0x36: {  	[dreg:$0x0] =	wrdreg $0xFFFFFFFF;
	(pc) =	sbr.abs _section_cstart, $3  }
0x37: {  	[dreg:$0x1] =	wrdreg $0xFFFFFFFF  }
0x38: {  	_ =	task.clear_ibuf [dreg:s6], $0x2FFFF;
	_ =	strace $0x9FFFFFFF  }
0x39: {  	(tm) =	ssettm $0x7FFFFFFF  }
tec
execute0_lowered:
.L_overlay_start_1:
0x0: {  	(tag) =	ssettag $0x1  }
0x1: {  	s0 =	stileid.u32  }
0x2: {  	s1 =	srdreg.scid;
	s31 =	rddreg [dreg:$0x0]  }
0x3: {  	s10 =	simm.s32 $0x2;
	s1 =	sshll.u32 s1, $0x9;
	s2 =	sshll.u32 s0, $0x5  }
0x4: {  	s16 =	simm.s32 $0x0;
	s14 =	simm.s32 $0x0;
	s1 =	sor.u32 s2, s1  }
0x5: {  	s17 =	simm.s32 $0x0;
	s30 =	sshll.u32 s0, $0x7;
	s1 =	sand.u32 $0x380, s1  }
0x6: {  	s15 =	simm.s32 $0x0;
	s2 =	sand.u32 $0x180, s30;
	s3 =	sshll.u32 s1, $0x2  }
0x7: {  	s11 =	simm.s32 $0x0;
	s8 =	ssub.s32 $0x35C, s1;
	s2 =	sor.u32 s2, s3  }
0x8: {  	s12 =	simm.s32 $0x0;
	p0 =	sgt.s32 s8, $0x0;
	s3 =	smul.u32 $0x925, s2  }
0x9: {  	s13 =	simm.s32 $0x0;
	s5 =	sand.u32 $0x3, s0;
	s8 =	simm.s32 @!p0 $0x0  }
0xa: {  	p1 =	seq.s32 s5, $0x3;
	s8 =	sand.u32 $0x3DC, s8;
	s6 =	sshrl.u32 s3, $0x15  }
0xb: {  	s3 =	smul.u32 $0x380, s6;
	s9 =	sand.u32 $0x3, s6;
	s6 =	simm.s32 $0x0  }
0xc: {  	p0 =	seq.s32 s8, $0x0;
	s9 =	smul.u32 $0x70, s9;
	s6 =	simm.s32 @!p1 $0x24  }
0xd: {  	s2 =	ssub.s32 s2, s3;
	s3 =	sadd.s32 $0x375800, s31;
	s6 =	simm.s32 @p0 $0x0  }
.Ltmp0:
0xe: {  	p0 =	por $0x0, $0x0;
	s4 =	sand.u32 $0xFF80, s2;
	(pc) =	sbr.rel .LBB1_1-.Ltmp0, $4  }
0xf: {  	s2 =	rddreg [dreg:$0x1];
	_ =	strace $0x80000047;
	s4 =	sshrl.u32 s4, $0x3  }
0x10: {  	s8 =	sor.u32 $0x1, s6;
	s7 =	sadd.s32 s4, s31;
	s4 =	simm.s32 $0x1  }
0x11: {  	[sflag:s4] =	ssyncpa.u1 $0x0;
	s7 =	sadd.s32 s9, s7;
	s9 =	simm.s32 $0x80  }
0x12: {  	[sflag:s10] =	ssyncpa.u1 $0x0;
	s7 =	sadd.s32 $0x17D800, s7;
	s10 =	simm.s32 $0x1A400  }
.LBB1_4:
0x13: {  	_ =	sdelay $0x1  }
0x14: {  	s21 =	sshrl.u32 s17, $0x3  }
0x15: {  	s21 =	smul.u32 $0x1C00, s21  }
0x16: {  	s16 =	sshll.u32 s16, $0x3;
	s29 =	sshll.u32 s17, $0x7;
	[tilespmem:v0+s20+$0xFFFFFFA0 ss:$0x1] =	vst.idx.msk $0xffff, v6  }
0x17: {  	v56 =	vld.idx.msk [tilespmem:v1+s19+$0x30 ss:$0x1], $0xffff;
	[tilespmem:v0+s20+$0xFFFFFFB0 ss:$0x1] =	vst.idx.msk $0xffff, v5;
	s17 =	sand.u32 $0x380, s29;
	s16 =	sadd.s32 s21, s16  }
0x18: {  	v57 =	vld.idx.msk [tilespmem:v1+s19+$0xFFFFFFC0 ss:$0x1], $0xffff;
	[tilespmem:v0+s20+$0xFFFFFFC0 ss:$0x1] =	vst.idx.msk $0xffff, v4;
	s16 =	sor.u32 s17, s16  }
0x19: {  	v58 =	vld.idx.msk [tilespmem:v1+s19+$0xFFFFFFD0 ss:$0x1], $0xffff;
	[tilespmem:v0+s20+$0xFFFFFFD0 ss:$0x1] =	vst.idx.msk $0xffff, v2;
	s17 =	sshrl.u32 s16, $0x7  }
0x1a: {  	v59 =	vld.idx.msk [tilespmem:v1+s19+$0xFFFFFFE0 ss:$0x1], $0xffff;
	[tilespmem:v0+s20+$0xFFFFFFE0 ss:$0x1] =	vst.idx.msk $0xffff, v3;
	s17 =	smulhi.u32 $0x24924925, s17  }
0x1b: {  	v60 =	vld.idx.msk [tilespmem:v1+s19+$0xFFFFFFF0 ss:$0x1], $0xffff;
	[tilespmem:v0+s20+$0xFFFFFFF0 ss:$0x1] =	vst.idx.msk $0xffff, v7;
	s15 =	smul.u32 $0x3480, s15  }
0x1c: {  	v61 =	vld.idx.msk [tilespmem:v1+s19+$0x0 ss:$0x1], $0xffff;
	[tilespmem:v0+s19+$0x0 ss:$0x1] =	vst.idx.msk $0xffff, v56;
	s30 =	smulhi.u32 $0x6666667, s17  }
0x1d: {  	v62 =	vld.idx.msk [tilespmem:v1+s19+$0x10 ss:$0x1], $0xffff;
	[tilespmem:v0+s19+$0xFFFFFF90 ss:$0x1] =	vst.idx.msk $0xffff, v57;
	s31 =	smul.u32 $0x380, s17  }
0x1e: {  	v63 =	vld.idx.msk [tilespmem:v1+s19+$0x20 ss:$0x1], $0xffff;
	[tilespmem:v0+s19+$0xFFFFFFA0 ss:$0x1] =	vst.idx.msk $0xffff, v58;
	s20 =	smul.u32 $0x28, s30  }
0x1f: {  	s14 =	smul.u32 $0x1180, s14;
	[tilespmem:v0+s19+$0xFFFFFFB0 ss:$0x1] =	vst.idx.msk $0xffff, v59  }
0x20: {  	s15 =	sadd.s32 s3, s15;
	[tilespmem:v0+s19+$0xFFFFFFC0 ss:$0x1] =	vst.idx.msk $0xffff, v60;
	s16 =	ssub.s32 s16, s31;
	s17 =	ssub.s32 s17, s20  }
0x21: {  	s14 =	sadd.s32 s14, s15;
	[tilespmem:v0+s19+$0xFFFFFFD0 ss:$0x1] =	vst.idx.msk $0xffff, v61;
	s16 =	sshrl.u32 s16, $0x3;
	s17 =	smul.u32 $0x70, s17  }
0x22: {  	[tilespmem:v0+s19+$0xFFFFFFE0 ss:$0x1] =	vst.idx.msk $0xffff, v62;
	s14 =	sadd.s32 s16, s14  }
0x23: {  	[tilespmem:v0+s19+$0xFFFFFFF0 ss:$0x1] =	vst.idx.msk $0xffff, v63;
	s14 =	sadd.s32 s17, s14  }
0x24: {  	[hbm4b:s14+s9] =	stream.strided.scatter [tilespmem:s18], [sflag:$0x2], $0x4000, s10, s9, $0x38;
	[tilespmem:$0x10000] =	vst v63  }
.LBB1_5:
0x25: {  	s18 =	sadd.s32 $0x1, s11  }
0x26: {  	s15 =	sadd.s32 $0x80, s12;
	s19 =	smov.u32 s12;
	p2 =	sgt.s32 s18, $0x23  }
0x27: {  	s19 =	smov.u32 @p2 s15  }
0x28: {  	s18 =	simm.s32 @p2 $0x0;
	p2 =	sgt.s32 s19, $0x7F  }
0x29: {  	p1 =	slt.u32 s13, $0x2;
	s19 =	simm.s32 @p2 $0x0;
	p2 =	sne.s32 s13, s8  }
.Ltmp1:
0x2a: {  	s14 =	simm.s32 @!p1 $0x2;
	(pc) =	sbr.rel @!p2 .LBB1_6-.Ltmp1, $4  }
0x2b: {  	s20 =	sadd.s32 $0x1, s13;
	s17 =	smov.u32 s11;
	_ =	swait.ge @!p1 [sflag:s14], $0x4000  }
0x2c: {  	p0 =	por !p0, !p0;
	s16 =	smov.u32 s1;
	[sflag:s14] =	ssyncset.done @!p1 $0x0  }
0x2d: {  	s15 =	smov.u32 s12;
	s11 =	smov.u32 s18;
	[sflag:s14] =	ssyncadd.s32 @!p1 $0xFFFFC000  }
0x2e: {  	s14 =	smov.u32 s5;
	s13 =	smov.u32 s20;
	s12 =	smov.u32 s19  }
.LBB1_1:
0x2f: {  	p1 =	sge.u32 s13, s6  }
0x30: {  	s19 =	smul.u32 @!p1 $0x3F00, s12  }
0x31: {  	s31 =	sadd.s32 $0xFFFFFFFF, s13;
	s18 =	sxor.u32 @!p1 $0xFFFFFFFF, s13;
	s20 =	smul.u32 @!p1 $0x1C0, s11  }
0x32: {  	s21 =	simm.s32 @!p1 $0x1F800;
	s18 =	sshll.u32 @!p1 s18, $0xE;
	s19 =	sadd.s32 @!p1 s19, s7  }
0x33: {  	s18 =	sand.u32 @!p1 $0x4000, s18;
	s19 =	sadd.s32 @!p1 s20, s19;
	s20 =	simm.s32 @!p1 $0x80  }
0x34: {  	[tilespmem:s18], [sflag:$0x1] =	stream.strided.gather @!p1 [hbm4b:s19+s20], $0x4000, s21, s20, $0x38;
	[tilespmem:$0x10000] =	vst v63  }
0x35: {  	p1 =	sge.u32 s31, s6  }
.Ltmp2:
0x36: {  	_ = 	snop;
	(pc) =	sbr.rel @p1 .LBB1_5-.Ltmp2, $1  }
0x37: {  	_ =	sdelay $0x3  }
0x38: {  	s18 =	simm.s32 $0x1  }
0x39: {  	s18 =	simm.s32 @!p0 $0x0  }
0x3a: {  	s18 =	sshll.u32 s18, $0xE  }
0x3b: {  	s19 =	sor.u32 $0x40, s18  }
0x3c: {  	v1 =	vmov s19;
	_ =	sdelay $0x1  }
0x3d: {  	_ =	swait.ge [sflag:s4], $0x4000  }
0x3e: {  	[sflag:s4] =	ssyncset.done $0x0  }
0x3f: {  	s20 =	simm.s32 $0x0;
	[sflag:s4] =	ssyncadd.s32 $0xFFFFC000  }
0x40: {  	s18 =	sor.u32 $0x8070, s18;
	v7 =	vld.idx.msk [tilespmem:v1+s20+$0x30 ss:$0x1], $0xffff  }
0x41: {  	v0 =	vmov s18;
	v8 =	vld.idx.msk [tilespmem:v1+s20+$0xFFFFFFC0 ss:$0x1], $0xffff  }
0x42: {  	v6 =	vld.idx.msk [tilespmem:v1+s20+$0xFFFFFFD0 ss:$0x1], $0xffff  }
0x43: {  	v5 =	vld.idx.msk [tilespmem:v1+s20+$0xFFFFFFE0 ss:$0x1], $0xffff  }
0x44: {  	v4 =	vld.idx.msk [tilespmem:v1+s20+$0xFFFFFFF0 ss:$0x1], $0xffff  }
0x45: {  	s31 =	sshll.u32 s13, $0xE;
	v2 =	vld.idx.msk [tilespmem:v1+s20+$0x0 ss:$0x1], $0xffff  }
0x46: {  	s18 =	sand.u32 $0x4000, s31;
	v3 =	vld.idx.msk [tilespmem:v1+s20+$0x10 ss:$0x1], $0xffff;
	[tilespmem:v0+s20+$0x0 ss:$0x1] =	vst.idx.msk $0xffff, v7  }
0x47: {  	s21 =	simm.s32 $0x400;
	s19 =	simm.s32 $0x80;
	s18 =	sor.u32 $0x8000, s18;
	[tilespmem:v0+s20+$0xFFFFFF90 ss:$0x1] =	vst.idx.msk $0xffff, v8;
	v7 =	vld.idx.msk [tilespmem:v1+s20+$0x20 ss:$0x1], $0xffff  }
.LBB1_3:
0x48: {  	p1 =	sne.s32 s21, $0xFE00;
	v8 =	vld.idx.msk [tilespmem:v1+s19+$0x30 ss:$0x1], $0xffff;
	[tilespmem:v0+s20+$0xFFFFFFA0 ss:$0x1] =	vst.idx.msk $0xffff, v6  }
0x49: {  	v9 =	vld.idx.msk [tilespmem:v1+s19+$0xFFFFFFC0 ss:$0x1], $0xffff;
	[tilespmem:v0+s20+$0xFFFFFFB0 ss:$0x1] =	vst.idx.msk $0xffff, v5  }
0x4a: {  	v6 =	vld.idx.msk [tilespmem:v1+s19+$0xFFFFFFD0 ss:$0x1], $0xffff;
	[tilespmem:v0+s20+$0xFFFFFFC0 ss:$0x1] =	vst.idx.msk $0xffff, v4  }
.Ltmp3:
0x4b: {  	v5 =	vld.idx.msk [tilespmem:v1+s19+$0xFFFFFFE0 ss:$0x1], $0xffff;
	[tilespmem:v0+s20+$0xFFFFFFD0 ss:$0x1] =	vst.idx.msk $0xffff, v2;
	(pc) =	sbr.rel @p1 .LBB1_3-.Ltmp3, $4  }
0x4c: {  	v4 =	vld.idx.msk [tilespmem:v1+s19+$0xFFFFFFF0 ss:$0x1], $0xffff;
	[tilespmem:v0+s20+$0xFFFFFFE0 ss:$0x1] =	vst.idx.msk $0xffff, v3  }
0x4d: {  	v2 =	vld.idx.msk [tilespmem:v1+s19+$0x0 ss:$0x1], $0xffff;
	[tilespmem:v0+s20+$0xFFFFFFF0 ss:$0x1] =	vst.idx.msk $0xffff, v7;
	s20 =	smov.u32 s19  }
0x4e: {  	v3 =	vld.idx.msk [tilespmem:v1+s20+$0x10 ss:$0x1], $0xffff;
	[tilespmem:v0+s20+$0x0 ss:$0x1] =	vst.idx.msk $0xffff, v8  }
0x4f: {  	s19 =	sshra.s32 s21, $0x2;
	s21 =	sadd.s32 $0x200, s21;
	[tilespmem:v0+s20+$0xFFFFFF90 ss:$0x1] =	vst.idx.msk $0xffff, v9;
	v7 =	vld.idx.msk [tilespmem:v1+s20+$0x20 ss:$0x1], $0xffff  }
.Ltmp4:
0x50: {  	_ = 	snop;
	(pc) =	sbr.rel .LBB1_4-.Ltmp4, $1  }
0x51: {  	_ =	sdelay $0x3  }
.LBB1_6:
0x52: {  	_ =	sfence.sel $0x180000  }
0x53: {  	s1 =	simm.s32 $0x1;
	[bflag:$0x0] =	sbarrier.arrive $0xFFFF  }
0x54: {  	s31 =	simm.s32 $0x2;
	[sflag:s1] =	ssyncpa.u1 $0x1  }
0x55: {  	[sflag:s31] =	ssyncpa.u1 $0x1  }
0x56: {  	p0 =	sne.s32 s0, $0x0;
	_ =	strace $0x90000047  }
0x57: {  	s0 =	sadd.s32 @!p0 $0x100000, s2;
	[bflag:$0x2] =	sbarrier.arrive $0xFFFF  }
0x58: {  	[sflag:s0] =	ssyncadd.tile.s32 @!p0 $0x1;
	_ =	shalt  }
.Lfunc_end1:
_tile_overlayer_lowered:
.L_overlay_start_2:
0x59: {  	(tag) =	ssettag $0x2  }
0x5a: {  	s0 =	rddreg [dreg:$0x0];
	s2 =	stileid.u32  }
0x5b: {  	s1 =	rddreg [dreg:$0x1];
	p0 =	sne.s32 s2, $0x0  }
0x5c: {  	s3 =	rddreg [dreg:$0x2];
	[bflag:$0x3] =	sbarrier.arrive $0xFFFF;
	s2 =	simm.s32 @!p0 $0x1C01  }
0x5d: {  	[timem:s3], [sflag:s2] =	dma.local @!p0 [hbm:s0], s1  }
0x5e: {  	s0 =	simm.s32 @!p0 $0x1  }
0x5f: {  	_ =	swait.ge @!p0 [sflag:s0], s1  }
0x60: {  	s1 =	ssub.s32 @!p0 $0x0, s1;
	[sflag:s0] =	ssyncset.done @!p0 $0x0  }
0x61: {  	[sflag:s0] =	ssyncadd.s32 @!p0 s1  }
0x62: {  	[bflag:$0x3] =	sbarrier.arrive $0xFFFF  }
0x63: {  	_ =	shalt  }

// kernel: sparse-core-data-format-call.cloned.1.call-start
scs
called_computation_lowered:
.L_overlay_start_0:
0x0: {  	s1 =	sld [smem:$0x3FD9]  }
0x1: {  	s2 =	sld [smem:$0x3FFE];
	_ =	sdelay $0x1  }
0x2: {  	s3 =	srdreg.scid  }
0x3: {  	s0 =	sand.u32 $0x1, s3  }
0x4: {  	s17 =	sshll.u32 s0, $0xA;
	s1 =	sadd.s32 s2, s1  }
0x5: {  	s1 =	sadd.s32 s1, s17  }
0x6: {  	[smem:$0x3FB2] =	sst s1  }
0x7: {  	_ = 	snop  }
0x8: {  	(tm) =	ssettm $0x1  }
0x9: {  	s18 =	sld [smem:$0x3FFB];
	_ =	sdelay $0x3  }
0xa: {  	_ =	strace s18  }
0xb: {  	s1 =	sld [smem:$0x3FFC];
	_ =	sdelay $0x3  }
0xc: {  	_ =	strace s1  }
0xd: {  	s1 =	sld [smem:$0x3FFD];
	_ =	sdelay $0x3  }
0xe: {  	_ =	strace s1  }
0xf: {  	_ =	strace $0x8FFFFFFF  }
0x10: {  	s19 =	sld [smem:$0x3FDB];
	_ =	sdelay $0x1  }
0x11: {  	s20 =	simm.s32 $_scs_section_size  }
0x12: {  	s4 =	simm.s32 $_size__tile_overlayer_lowered;
	s5 =	simm.s32 $_tile_overlayer_lowered  }
0x13: {  	s23 =	simm.s32 $0x1BFF;
	s22 =	sshll.u32 s5, $0x1;
	s1 =	sadd.s32 s20, s19  }
0x14: {  	s6 =	simm.s32 $0x0;
	s21 =	sshll.u32 s4, $0x1;
	s4 =	sadd.s32 s22, s1  }
0x15: {  	[timem:s6], [sflag:s23] =	dma.local [hbm:s4], s21  }
0x16: {  	_ =	swait.ge [sflag:s23], s21  }
0x17: {  	s2 =	ssub.s32 $0x0, s21;
	[sflag:s23] =	ssyncset.done $0x0  }
0x18: {  	[sflag:s23] =	ssyncadd.s32 s2;
	_ =	sdelay $0x1  }
0x19: {  	s24 =	simm.s32 $0x1B8B  }
0x1a: {  	_ =	swait.ge [sflag:s24], $0x1  }
0x1b: {  	[sflag:s24] =	ssyncset.done $0x0  }
0x1c: {  	s26 =	simm.s32 $0x1B8E;
	s25 =	sld [smem:$0x3FFE];
	[sflag:s24] =	ssyncadd.s32 $0xFFFFFFFF  }
0x1d: {  	s27 =	simm.s32 $execute0_lowered;
	[smem:$0x3FD2] =	sst s26  }
0x1e: {  	s4 =	sshll.u32 s27, $0x1;
	_ =	strace $0x80000049;
	[dreg:$0x1] =	wrdreg $0xFFFFFFFF  }
0x1f: {  	s28 =	simm.s32 $_size_execute0_lowered;
	s1 =	sadd.s32 s1, s4;
	[dreg:$0x0] =	wrdreg $0x0  }
0x20: {  	s4 =	sshll.u32 s28, $0x1;
	[dreg:$0x2] =	wrdreg s1  }
0x21: {  	[dreg:$0x3] =	wrdreg s4  }
0x22: {  	[dreg:$0x4] =	wrdreg $0xC0  }
0x23: {  	_ =	task [dreg:s6], $0x5FFFF  }
0x24: {  	[dreg:$0x1] =	wrdreg $0xFFFFFFFF  }
0x25: {  	[dreg:$0x0] =	wrdreg $0x60  }
0x26: {  	[dreg:$0x2] =	wrdreg s25  }
0x27: {  	[dreg:$0x3] =	wrdreg $0x9  }
0x28: {  	_ =	task.clear_ibuf [dreg:s6], $0x4FFFF;
	_ =	strace $0x90000049  }
0x29: {  	s29 =	simm.s32 $0x9;
	_ =	strace $0x8000004B  }
0x2a: {  	_ =	swait.ge [sflag:s29], $0x1  }
0x2b: {  	[sflag:s29] =	ssyncadd.s32 $0xFFFFFFFF  }
0x2c: {  	_ =	strace $0x9000004B  }
0x2d: {  	_ =	sfence  }
0x2e: {  	s30 =	sld [smem:$0x0];
	_ =	sdelay $0x2  }
0x2f: {  	s31 =	sshll.u32 s3, $0xD;
	s3 =	sshrl.u32 s3, $0x2  }
0x30: {  	s2 =	sand.u32 $0x4000, s31;
	s1 =	sadd.s32 s3, s30  }
0x31: {  	s0 =	sor.u32 s2, s0;
	s1 =	sshll.u32 s1, $0x11  }
0x32: {  	s0 =	sor.u32 s1, s0  }
0x33: {  	s0 =	sadd.s32 $0x8F2B, s0  }
0x34: {  	[sflag:s0] =	ssyncadd.remote.s32 $0x1  }
0x35: {  	_ =	sfence.sel $0xFFFF  }
0x36: {  	[dreg:$0x0] =	wrdreg $0xFFFFFFFF;
	(pc) =	sbr.abs _section_cstart, $3  }
0x37: {  	[dreg:$0x1] =	wrdreg $0xFFFFFFFF  }
0x38: {  	_ =	task.clear_ibuf [dreg:s6], $0x2FFFF;
	_ =	strace $0x9FFFFFFF  }
0x39: {  	(tm) =	ssettm $0x7FFFFFFF  }
tec
execute0_lowered:
.L_overlay_start_1:
0x0: {  	(tag) =	ssettag $0x1  }
0x1: {  	s0 =	stileid.u32  }
0x2: {  	s1 =	srdreg.scid;
	s31 =	rddreg [dreg:$0x0]  }
0x3: {  	s10 =	simm.s32 $0x2;
	s1 =	sshll.u32 s1, $0x9;
	s2 =	sshll.u32 s0, $0x5  }
0x4: {  	s16 =	simm.s32 $0x0;
	s14 =	simm.s32 $0x0;
	s1 =	sor.u32 s2, s1  }
0x5: {  	s17 =	simm.s32 $0x0;
	s30 =	sshll.u32 s0, $0x7;
	s1 =	sand.u32 $0x380, s1  }
0x6: {  	s15 =	simm.s32 $0x0;
	s2 =	sand.u32 $0x180, s30;
	s3 =	sshll.u32 s1, $0x2  }
0x7: {  	s11 =	simm.s32 $0x0;
	s8 =	ssub.s32 $0x35C, s1;
	s2 =	sor.u32 s2, s3  }
0x8: {  	s12 =	simm.s32 $0x0;
	p0 =	sgt.s32 s8, $0x0;
	s3 =	smul.u32 $0x925, s2  }
0x9: {  	s13 =	simm.s32 $0x0;
	s5 =	sand.u32 $0x3, s0;
	s8 =	simm.s32 @!p0 $0x0  }
0xa: {  	p1 =	seq.s32 s5, $0x3;
	s8 =	sand.u32 $0x3DC, s8;
	s6 =	sshrl.u32 s3, $0x15  }
0xb: {  	s3 =	smul.u32 $0x380, s6;
	s9 =	sand.u32 $0x3, s6;
	s6 =	simm.s32 $0x0  }
0xc: {  	p0 =	seq.s32 s8, $0x0;
	s9 =	smul.u32 $0x70, s9;
	s6 =	simm.s32 @!p1 $0x24  }
0xd: {  	s2 =	ssub.s32 s2, s3;
	s3 =	sadd.s32 $0x389800, s31;
	s6 =	simm.s32 @p0 $0x0  }
.Ltmp0:
0xe: {  	p0 =	por $0x0, $0x0;
	s4 =	sand.u32 $0xFF80, s2;
	(pc) =	sbr.rel .LBB1_1-.Ltmp0, $4  }
0xf: {  	s2 =	rddreg [dreg:$0x1];
	_ =	strace $0x8000004A;
	s4 =	sshrl.u32 s4, $0x3  }
0x10: {  	s8 =	sor.u32 $0x1, s6;
	s7 =	sadd.s32 s4, s31;
	s4 =	simm.s32 $0x1  }
0x11: {  	[sflag:s4] =	ssyncpa.u1 $0x0;
	s7 =	sadd.s32 s9, s7;
	s9 =	simm.s32 $0x80  }
0x12: {  	[sflag:s10] =	ssyncpa.u1 $0x0;
	s7 =	sadd.s32 $0x191800, s7;
	s10 =	simm.s32 $0x1A400  }
.LBB1_4:
0x13: {  	_ =	sdelay $0x1  }
0x14: {  	s21 =	sshrl.u32 s17, $0x3  }
0x15: {  	s21 =	smul.u32 $0x1C00, s21  }
0x16: {  	s16 =	sshll.u32 s16, $0x3;
	s29 =	sshll.u32 s17, $0x7;
	[tilespmem:v0+s20+$0xFFFFFFA0 ss:$0x1] =	vst.idx.msk $0xffff, v6  }
0x17: {  	v56 =	vld.idx.msk [tilespmem:v1+s19+$0x30 ss:$0x1], $0xffff;
	[tilespmem:v0+s20+$0xFFFFFFB0 ss:$0x1] =	vst.idx.msk $0xffff, v5;
	s17 =	sand.u32 $0x380, s29;
	s16 =	sadd.s32 s21, s16  }
0x18: {  	v57 =	vld.idx.msk [tilespmem:v1+s19+$0xFFFFFFC0 ss:$0x1], $0xffff;
	[tilespmem:v0+s20+$0xFFFFFFC0 ss:$0x1] =	vst.idx.msk $0xffff, v4;
	s16 =	sor.u32 s17, s16  }
0x19: {  	v58 =	vld.idx.msk [tilespmem:v1+s19+$0xFFFFFFD0 ss:$0x1], $0xffff;
	[tilespmem:v0+s20+$0xFFFFFFD0 ss:$0x1] =	vst.idx.msk $0xffff, v2;
	s17 =	sshrl.u32 s16, $0x7  }
0x1a: {  	v59 =	vld.idx.msk [tilespmem:v1+s19+$0xFFFFFFE0 ss:$0x1], $0xffff;
	[tilespmem:v0+s20+$0xFFFFFFE0 ss:$0x1] =	vst.idx.msk $0xffff, v3;
	s17 =	smulhi.u32 $0x24924925, s17  }
0x1b: {  	v60 =	vld.idx.msk [tilespmem:v1+s19+$0xFFFFFFF0 ss:$0x1], $0xffff;
	[tilespmem:v0+s20+$0xFFFFFFF0 ss:$0x1] =	vst.idx.msk $0xffff, v7;
	s15 =	smul.u32 $0x3480, s15  }
0x1c: {  	v61 =	vld.idx.msk [tilespmem:v1+s19+$0x0 ss:$0x1], $0xffff;
	[tilespmem:v0+s19+$0x0 ss:$0x1] =	vst.idx.msk $0xffff, v56;
	s30 =	smulhi.u32 $0x6666667, s17  }
0x1d: {  	v62 =	vld.idx.msk [tilespmem:v1+s19+$0x10 ss:$0x1], $0xffff;
	[tilespmem:v0+s19+$0xFFFFFF90 ss:$0x1] =	vst.idx.msk $0xffff, v57;
	s31 =	smul.u32 $0x380, s17  }
0x1e: {  	v63 =	vld.idx.msk [tilespmem:v1+s19+$0x20 ss:$0x1], $0xffff;
	[tilespmem:v0+s19+$0xFFFFFFA0 ss:$0x1] =	vst.idx.msk $0xffff, v58;
	s20 =	smul.u32 $0x28, s30  }
0x1f: {  	s14 =	smul.u32 $0x1180, s14;
	[tilespmem:v0+s19+$0xFFFFFFB0 ss:$0x1] =	vst.idx.msk $0xffff, v59  }
0x20: {  	s15 =	sadd.s32 s3, s15;
	[tilespmem:v0+s19+$0xFFFFFFC0 ss:$0x1] =	vst.idx.msk $0xffff, v60;
	s16 =	ssub.s32 s16, s31;
	s17 =	ssub.s32 s17, s20  }
0x21: {  	s14 =	sadd.s32 s14, s15;
	[tilespmem:v0+s19+$0xFFFFFFD0 ss:$0x1] =	vst.idx.msk $0xffff, v61;
	s16 =	sshrl.u32 s16, $0x3;
	s17 =	smul.u32 $0x70, s17  }
0x22: {  	[tilespmem:v0+s19+$0xFFFFFFE0 ss:$0x1] =	vst.idx.msk $0xffff, v62;
	s14 =	sadd.s32 s16, s14  }
0x23: {  	[tilespmem:v0+s19+$0xFFFFFFF0 ss:$0x1] =	vst.idx.msk $0xffff, v63;
	s14 =	sadd.s32 s17, s14  }
0x24: {  	[hbm4b:s14+s9] =	stream.strided.scatter [tilespmem:s18], [sflag:$0x2], $0x4000, s10, s9, $0x38;
	[tilespmem:$0x10000] =	vst v63  }
.LBB1_5:
0x25: {  	s18 =	sadd.s32 $0x1, s11  }
0x26: {  	s15 =	sadd.s32 $0x80, s12;
	s19 =	smov.u32 s12;
	p2 =	sgt.s32 s18, $0x23  }
0x27: {  	s19 =	smov.u32 @p2 s15  }
0x28: {  	s18 =	simm.s32 @p2 $0x0;
	p2 =	sgt.s32 s19, $0x7F  }
0x29: {  	p1 =	slt.u32 s13, $0x2;
	s19 =	simm.s32 @p2 $0x0;
	p2 =	sne.s32 s13, s8  }
.Ltmp1:
0x2a: {  	s14 =	simm.s32 @!p1 $0x2;
	(pc) =	sbr.rel @!p2 .LBB1_6-.Ltmp1, $4  }
0x2b: {  	s20 =	sadd.s32 $0x1, s13;
	s17 =	smov.u32 s11;
	_ =	swait.ge @!p1 [sflag:s14], $0x4000  }
0x2c: {  	p0 =	por !p0, !p0;
	s16 =	smov.u32 s1;
	[sflag:s14] =	ssyncset.done @!p1 $0x0  }
0x2d: {  	s15 =	smov.u32 s12;
	s11 =	smov.u32 s18;
	[sflag:s14] =	ssyncadd.s32 @!p1 $0xFFFFC000  }
0x2e: {  	s14 =	smov.u32 s5;
	s13 =	smov.u32 s20;
	s12 =	smov.u32 s19  }
.LBB1_1:
0x2f: {  	p1 =	sge.u32 s13, s6  }
0x30: {  	s19 =	smul.u32 @!p1 $0x3F00, s12  }
0x31: {  	s31 =	sadd.s32 $0xFFFFFFFF, s13;
	s18 =	sxor.u32 @!p1 $0xFFFFFFFF, s13;
	s20 =	smul.u32 @!p1 $0x1C0, s11  }
0x32: {  	s21 =	simm.s32 @!p1 $0x1F800;
	s18 =	sshll.u32 @!p1 s18, $0xE;
	s19 =	sadd.s32 @!p1 s19, s7  }
0x33: {  	s18 =	sand.u32 @!p1 $0x4000, s18;
	s19 =	sadd.s32 @!p1 s20, s19;
	s20 =	simm.s32 @!p1 $0x80  }
0x34: {  	[tilespmem:s18], [sflag:$0x1] =	stream.strided.gather @!p1 [hbm4b:s19+s20], $0x4000, s21, s20, $0x38;
	[tilespmem:$0x10000] =	vst v63  }
0x35: {  	p1 =	sge.u32 s31, s6  }
.Ltmp2:
0x36: {  	_ = 	snop;
	(pc) =	sbr.rel @p1 .LBB1_5-.Ltmp2, $1  }
0x37: {  	_ =	sdelay $0x3  }
0x38: {  	s18 =	simm.s32 $0x1  }
0x39: {  	s18 =	simm.s32 @!p0 $0x0  }
0x3a: {  	s18 =	sshll.u32 s18, $0xE  }
0x3b: {  	s19 =	sor.u32 $0x40, s18  }
0x3c: {  	v1 =	vmov s19;
	_ =	sdelay $0x1  }
0x3d: {  	_ =	swait.ge [sflag:s4], $0x4000  }
0x3e: {  	[sflag:s4] =	ssyncset.done $0x0  }
0x3f: {  	s20 =	simm.s32 $0x0;
	[sflag:s4] =	ssyncadd.s32 $0xFFFFC000  }
0x40: {  	s18 =	sor.u32 $0x8070, s18;
	v7 =	vld.idx.msk [tilespmem:v1+s20+$0x30 ss:$0x1], $0xffff  }
0x41: {  	v0 =	vmov s18;
	v8 =	vld.idx.msk [tilespmem:v1+s20+$0xFFFFFFC0 ss:$0x1], $0xffff  }
0x42: {  	v6 =	vld.idx.msk [tilespmem:v1+s20+$0xFFFFFFD0 ss:$0x1], $0xffff  }
0x43: {  	v5 =	vld.idx.msk [tilespmem:v1+s20+$0xFFFFFFE0 ss:$0x1], $0xffff  }
0x44: {  	v4 =	vld.idx.msk [tilespmem:v1+s20+$0xFFFFFFF0 ss:$0x1], $0xffff  }
0x45: {  	s31 =	sshll.u32 s13, $0xE;
	v2 =	vld.idx.msk [tilespmem:v1+s20+$0x0 ss:$0x1], $0xffff  }
0x46: {  	s18 =	sand.u32 $0x4000, s31;
	v3 =	vld.idx.msk [tilespmem:v1+s20+$0x10 ss:$0x1], $0xffff;
	[tilespmem:v0+s20+$0x0 ss:$0x1] =	vst.idx.msk $0xffff, v7  }
0x47: {  	s21 =	simm.s32 $0x400;
	s19 =	simm.s32 $0x80;
	s18 =	sor.u32 $0x8000, s18;
	[tilespmem:v0+s20+$0xFFFFFF90 ss:$0x1] =	vst.idx.msk $0xffff, v8;
	v7 =	vld.idx.msk [tilespmem:v1+s20+$0x20 ss:$0x1], $0xffff  }
.LBB1_3:
0x48: {  	p1 =	sne.s32 s21, $0xFE00;
	v8 =	vld.idx.msk [tilespmem:v1+s19+$0x30 ss:$0x1], $0xffff;
	[tilespmem:v0+s20+$0xFFFFFFA0 ss:$0x1] =	vst.idx.msk $0xffff, v6  }
0x49: {  	v9 =	vld.idx.msk [tilespmem:v1+s19+$0xFFFFFFC0 ss:$0x1], $0xffff;
	[tilespmem:v0+s20+$0xFFFFFFB0 ss:$0x1] =	vst.idx.msk $0xffff, v5  }
0x4a: {  	v6 =	vld.idx.msk [tilespmem:v1+s19+$0xFFFFFFD0 ss:$0x1], $0xffff;
	[tilespmem:v0+s20+$0xFFFFFFC0 ss:$0x1] =	vst.idx.msk $0xffff, v4  }
.Ltmp3:
0x4b: {  	v5 =	vld.idx.msk [tilespmem:v1+s19+$0xFFFFFFE0 ss:$0x1], $0xffff;
	[tilespmem:v0+s20+$0xFFFFFFD0 ss:$0x1] =	vst.idx.msk $0xffff, v2;
	(pc) =	sbr.rel @p1 .LBB1_3-.Ltmp3, $4  }
0x4c: {  	v4 =	vld.idx.msk [tilespmem:v1+s19+$0xFFFFFFF0 ss:$0x1], $0xffff;
	[tilespmem:v0+s20+$0xFFFFFFE0 ss:$0x1] =	vst.idx.msk $0xffff, v3  }
0x4d: {  	v2 =	vld.idx.msk [tilespmem:v1+s19+$0x0 ss:$0x1], $0xffff;
	[tilespmem:v0+s20+$0xFFFFFFF0 ss:$0x1] =	vst.idx.msk $0xffff, v7;
	s20 =	smov.u32 s19  }
0x4e: {  	v3 =	vld.idx.msk [tilespmem:v1+s20+$0x10 ss:$0x1], $0xffff;
	[tilespmem:v0+s20+$0x0 ss:$0x1] =	vst.idx.msk $0xffff, v8  }
0x4f: {  	s19 =	sshra.s32 s21, $0x2;
	s21 =	sadd.s32 $0x200, s21;
	[tilespmem:v0+s20+$0xFFFFFF90 ss:$0x1] =	vst.idx.msk $0xffff, v9;
	v7 =	vld.idx.msk [tilespmem:v1+s20+$0x20 ss:$0x1], $0xffff  }
.Ltmp4:
0x50: {  	_ = 	snop;
	(pc) =	sbr.rel .LBB1_4-.Ltmp4, $1  }
0x51: {  	_ =	sdelay $0x3  }
.LBB1_6:
0x52: {  	_ =	sfence.sel $0x180000  }
0x53: {  	s1 =	simm.s32 $0x1;
	[bflag:$0x0] =	sbarrier.arrive $0xFFFF  }
0x54: {  	s31 =	simm.s32 $0x2;
	[sflag:s1] =	ssyncpa.u1 $0x1  }
0x55: {  	[sflag:s31] =	ssyncpa.u1 $0x1  }
0x56: {  	p0 =	sne.s32 s0, $0x0;
	_ =	strace $0x9000004A  }
0x57: {  	s0 =	sadd.s32 @!p0 $0x100000, s2;
	[bflag:$0x2] =	sbarrier.arrive $0xFFFF  }
0x58: {  	[sflag:s0] =	ssyncadd.tile.s32 @!p0 $0x1;
	_ =	shalt  }
.Lfunc_end1:
_tile_overlayer_lowered:
.L_overlay_start_2:
0x59: {  	(tag) =	ssettag $0x2  }
0x5a: {  	s0 =	rddreg [dreg:$0x0];
	s2 =	stileid.u32  }
0x5b: {  	s1 =	rddreg [dreg:$0x1];
	p0 =	sne.s32 s2, $0x0  }
0x5c: {  	s3 =	rddreg [dreg:$0x2];
	[bflag:$0x3] =	sbarrier.arrive $0xFFFF;
	s2 =	simm.s32 @!p0 $0x1C01  }
0x5d: {  	[timem:s3], [sflag:s2] =	dma.local @!p0 [hbm:s0], s1  }
0x5e: {  	s0 =	simm.s32 @!p0 $0x1  }
0x5f: {  	_ =	swait.ge @!p0 [sflag:s0], s1  }
0x60: {  	s1 =	ssub.s32 @!p0 $0x0, s1;
	[sflag:s0] =	ssyncset.done @!p0 $0x0  }
0x61: {  	[sflag:s0] =	ssyncadd.s32 @!p0 s1  }
0x62: {  	[bflag:$0x3] =	sbarrier.arrive $0xFFFF  }
0x63: {  	_ =	shalt  }

</sc_bundles>
